<compile_context>
chip_gen: v7x
topology: tpu7x:2x2x1
jax: 0.10.2.dev20260603
libtpu: 0.0.44.dev20260713+nightly
codegen_flags: <defaults>
</compile_context>

<pallas_src>
import functools

import jax
import jax.numpy as jnp
from jax import lax
from jax.experimental import pallas as pl
from jax.experimental.pallas import tpu as pltpu
from jax.experimental.pallas import tpu_sc as plsc

SIZE = 1024
DIM = 64
N = 32 * 576
B = 32
RPB = 576
BPS = 4

NW = 32
RPW = N // NW
CHUNK = 96
NCHUNK = RPW // CHUNK
L = 16
CROWS = SIZE // L


def _tc_body(zT_ref, cb_ref, cn_ref, idx_ref):
    cb16 = cb_ref[...].astype(jnp.bfloat16)
    for j in range(BPS):
        zT = zT_ref[j]
        zT16 = zT.astype(jnp.bfloat16)
        scoresT = lax.dot_general(cb16, zT16, (((1,), (0,)), ((), ())),
                                  preferred_element_type=jnp.float32)
        znT = jnp.sum(zT * zT, axis=0, keepdims=True)
        costT = (znT + cn_ref[...]) - 2.0 * scoresT
        idx = jnp.argmin(costT, axis=0).astype(jnp.int32)
        idx_ref[j, 0, :] = idx


def _tc_argmin(zT, codebook, cnorm, interpret=False):
    return pl.pallas_call(
        _tc_body,
        grid=(B // BPS,),
        in_specs=[
            pl.BlockSpec((BPS, DIM, RPB), lambda i: (i, 0, 0)),
            pl.BlockSpec((SIZE, DIM), lambda i: (0, 0)),
            pl.BlockSpec((SIZE, 1), lambda i: (0, 0)),
        ],
        out_specs=[
            pl.BlockSpec((BPS, 1, RPB), lambda i: (i, 0, 0)),
        ],
        out_shape=[
            jax.ShapeDtypeStruct((B, 1, RPB), jnp.int32),
        ],
        compiler_params=pltpu.CompilerParams(
            dimension_semantics=("arbitrary",)),
        interpret=interpret,
    )(zT, codebook, cnorm)


def _tc_perp_body(c_ref, perp_ref):
    c = c_ref[0] + c_ref[1]
    e = c * (1.0 / N)
    h = jnp.sum(e * jnp.log(e + 1e-10)) * (1.0 / L)
    perp_ref[0, 0] = jnp.exp(-h)


def _tc_perplexity(counts2):
    return pl.pallas_call(
        _tc_perp_body,
        out_specs=pl.BlockSpec(memory_space=pltpu.SMEM),
        out_shape=jax.ShapeDtypeStruct((1, 1), jnp.float32),
    )(counts2)


def _sc_gather_build():
    mesh = plsc.VectorSubcoreMesh(core_axis_name="c", subcore_axis_name="s")

    @functools.partial(
        pl.kernel,
        mesh=mesh,
        out_type=(
            jax.ShapeDtypeStruct((NW, RPW, DIM), jnp.float32),
            jax.ShapeDtypeStruct((2, SIZE, L), jnp.float32),
        ),
        scratch_types=[
            pltpu.VMEM((NCHUNK, CHUNK), jnp.int32),
            pltpu.VMEM((RPW, DIM), jnp.float32),
            pltpu.VMEM((CROWS, L), jnp.float32),
            pltpu.VMEM((CHUNK, L), jnp.float32),
            pltpu.VMEM_SHARED((SIZE, L), jnp.float32),
            pltpu.SemaphoreType.DMA,
            pltpu.SemaphoreType.DMA,
        ],
        compiler_params=pltpu.CompilerParams(use_tc_tiling_on_sc=False),
    )
    def _sc_gather(cb_hbm, idx_hbm, out_hbm, cnt_hbm,
                   idx_v, rows_v, zeros_v, ones_v, shared, sem, sem2):
        cid = lax.axis_index("c")
        sid = lax.axis_index("s")
        wid = sid * 2 + cid
        pltpu.sync_copy(idx_hbm.at[wid], idx_v)
        copies = []
        for j in range(NCHUNK):
            copies.append(pltpu.async_copy(
                cb_hbm.at[idx_v.at[j]],
                rows_v.at[pl.ds(j * CHUNK, CHUNK)],
                sem))

        def _zero(j, _):
            zeros_v[j, :] = jnp.zeros((L,), jnp.float32)
            return 0
        lax.fori_loop(0, CROWS, _zero, 0)

        def _one(j, _):
            ones_v[j, :] = jnp.ones((L,), jnp.float32)
            return 0
        lax.fori_loop(0, CHUNK, _one, 0)

        pltpu.sync_copy(zeros_v, shared.at[pl.ds(sid * CROWS, CROWS)])
        plsc.subcore_barrier()

        for j in range(NCHUNK):
            pltpu.sync_copy(ones_v, shared.at[idx_v.at[j]], add=True)

        for c in copies:
            c.wait()
        st = pltpu.async_copy(rows_v, out_hbm.at[wid], sem2)

        plsc.subcore_barrier()

        @pl.when(sid == 0)
        def _emit_counts():
            pltpu.sync_copy(shared, cnt_hbm.at[cid])

        st.wait()

    return _sc_gather


def kernel(z_from_encoder, codebook, codebook_weight, flg_train):
    z = z_from_encoder
    zT = jnp.swapaxes(z, 1, 2)
    cnorm = jnp.sum(codebook ** 2, axis=1, keepdims=True)
    idx = _tc_argmin(zT, codebook, cnorm)[0]
    idx_sc = idx.reshape(NW, NCHUNK, CHUNK)
    z_q, counts2 = _sc_gather_build()(codebook, idx_sc)
    perp = _tc_perplexity(counts2.reshape(2, 128, 128))
    return (z_q, 0.0, perp[0, 0])

# --- scband reference (transcript-rebuilt; emitter-appended) ---
"""Pipeline reference for scband-wsvector-quantizer-61787399520296 (READ-ONLY COPY).

The authoritative reference and input builder live on the scoring server;
editing this copy changes nothing except your own understanding.
"""

import jax, jax.numpy as jnp
import numpy as np

SIZE_DICT = 1024
DIM_DICT = 64

def setup_inputs(seed: int = 0) -> dict:
    key = jax.random.key(seed)
    k1, k2, k3 = jax.random.split(key, 3)
    z = jax.random.normal(k1, (32, 576, 64), dtype=jnp.float32)
    codebook = jax.random.normal(k2, (SIZE_DICT, DIM_DICT), dtype=jnp.float32)
    codebook_weight = jax.random.normal(k3, (1, SIZE_DICT), dtype=jnp.float32)
    return {"z_from_encoder": z, "codebook": codebook, "codebook_weight": codebook_weight, "flg_train": 0}

def reference(z_from_encoder, codebook, codebook_weight, flg_train):
    z = z_from_encoder
    z_flattened = z.reshape(-1, DIM_DICT)
    cost_matrix = (jnp.sum(z_flattened ** 2, axis=1, keepdims=True)
                   + jnp.sum(codebook ** 2, axis=1)
                   - 2.0 * jnp.matmul(z_flattened, codebook.T))
    min_encoding_indices = jnp.argmin(cost_matrix, axis=1)
    min_encodings = jax.nn.one_hot(min_encoding_indices, SIZE_DICT, dtype=z.dtype)
    z_q = jnp.matmul(min_encodings, codebook)
    # flg_train == 0 -> inference path, loss = 0.0 (training path requires POT's ot.emd2)
    loss = 0.0
    z_q = z_q.reshape(z.shape)
    z_q = z + jax.lax.stop_gradient(z_q - z)
    e_mean = jnp.mean(min_encodings, axis=0)
    perplexity = jnp.exp(-jnp.sum(e_mean * jnp.log(e_mean + 1e-10)))
    return (z_q, loss, perplexity)

if __name__ == "__main__":
    import jax
    _d = setup_inputs()
    print(jax.jit(kernel)(*tuple(_d.values())))

</pallas_src>

<mosaic_0001>
#map = affine_map<(d0, d1) -> (0, 0)>
#map1 = affine_map<(d0, d1) -> (0, 0, 0)>
module attributes {stable_mosaic.version = 14 : i64} {
  func.func @_sc_gather(%arg0: i32, %arg1: i32, %arg2: memref<1024x64xf32, #tpu.memory_space<hbm>>, %arg3: memref<32x6x96xi32, #tpu.memory_space<hbm>>, %arg4: memref<32x576x64xf32, #tpu.memory_space<hbm>>, %arg5: memref<2x1024x16xf32, #tpu.memory_space<hbm>>, %arg6: memref<6x96xi32, #tpu.memory_space<vmem>>, %arg7: memref<576x64xf32, #tpu.memory_space<vmem>>, %arg8: memref<64x16xf32, #tpu.memory_space<vmem>>, %arg9: memref<96x16xf32, #tpu.memory_space<vmem>>, %arg10: memref<1024x16xf32, #tpu.memory_space<vmem_shared>>, %arg11: memref<!tpu.dma_semaphore, #tpu.memory_space<semaphore_mem>>, %arg12: memref<!tpu.dma_semaphore, #tpu.memory_space<semaphore_mem>>) attributes {dimension_semantics = [#tpu.dimension_semantics<core_parallel>, #tpu.dimension_semantics<subcore_parallel>], iteration_bounds = array<i64: 2, 16>, scalar_prefetch = 0 : i64, scratch_operands = 7 : i64, tpu.core_type = #tpu.core_type<sc_vector_subcore>, window_params = [{transform_indices = #map}, {transform_indices = #map1}, {transform_indices = #map1}, {transform_indices = #map1}]} {
    %mul3A = arith.constant 2 : i32
    %mul3A_0 = arith.muli %arg1, %mul3A : i32
    %add3A = arith.addi %mul3A_0, %arg0 : i32
    "tpu.region"() ({
      %run_scoped3A_158 = tpu.sem_alloc : memref<!tpu.dma_semaphore, #tpu.memory_space<semaphore_mem>>
      %dma_start3A_159 = arith.constant 0 : i32
      %dma_start3A_160 = arith.constant 0 : i32
      %dma_start3A_161 = tpu.memref_slice %arg3[%add3A, %dma_start3A_159, %dma_start3A_160] : memref<32x6x96xi32, #tpu.memory_space<hbm>> -> memref<1x6x96xi32, #tpu.memory_space<hbm>>
      %dma_start3A_162 = tpu.memref_squeeze %dma_start3A_161 : memref<1x6x96xi32, #tpu.memory_space<hbm>> -> memref<6x96xi32, #tpu.memory_space<hbm>>
      %dma_start3A_163 = arith.constant 0 : i32
      %dma_start3A_164 = arith.constant 0 : i32
      %dma_start3A_165 = tpu.memref_slice %arg3[%add3A, %dma_start3A_163, %dma_start3A_164] : memref<32x6x96xi32, #tpu.memory_space<hbm>> -> memref<1x6x96xi32, #tpu.memory_space<hbm>>
      %dma_start3A_166 = tpu.memref_squeeze %dma_start3A_165 : memref<1x6x96xi32, #tpu.memory_space<hbm>> -> memref<6x96xi32, #tpu.memory_space<hbm>>
      tpu.enqueue_dma source(%dma_start3A_166 : memref<6x96xi32, #tpu.memory_space<hbm>>) target(%arg6 : memref<6x96xi32, #tpu.memory_space<vmem>>) target_semaphore(%run_scoped3A_158 : memref<!tpu.dma_semaphore, #tpu.memory_space<semaphore_mem>>)
      %dma_wait3A_167 = arith.constant 0 : i32
      %dma_wait3A_168 = arith.constant 0 : i32
      %dma_wait3A_169 = tpu.memref_slice %arg3[%add3A, %dma_wait3A_167, %dma_wait3A_168] : memref<32x6x96xi32, #tpu.memory_space<hbm>> -> memref<1x6x96xi32, #tpu.memory_space<hbm>>
      %dma_wait3A_170 = tpu.memref_squeeze %dma_wait3A_169 : memref<1x6x96xi32, #tpu.memory_space<hbm>> -> memref<6x96xi32, #tpu.memory_space<hbm>>
      %dma_wait3A_171 = arith.constant 0 : i32
      %dma_wait3A_172 = arith.constant 0 : i32
      %dma_wait3A_173 = tpu.memref_slice %arg3[%add3A, %dma_wait3A_171, %dma_wait3A_172] : memref<32x6x96xi32, #tpu.memory_space<hbm>> -> memref<1x6x96xi32, #tpu.memory_space<hbm>>
      %dma_wait3A_174 = tpu.memref_squeeze %dma_wait3A_173 : memref<1x6x96xi32, #tpu.memory_space<hbm>> -> memref<6x96xi32, #tpu.memory_space<hbm>>
      tpu.wait_dma2 semaphore(%run_scoped3A_158 : memref<!tpu.dma_semaphore, #tpu.memory_space<semaphore_mem>>) src(%dma_wait3A_174 : memref<6x96xi32, #tpu.memory_space<hbm>>) dst(%arg6 : memref<6x96xi32, #tpu.memory_space<vmem>>)
      tpu.yield
    }) : () -> ()
    %dma_start3A = arith.constant 0 : i32
    %dma_start3A_1 = arith.constant 0 : i32
    %dma_start3A_2 = arith.constant 0 : i32
    %dma_start3A_3 = tpu.memref_slice %arg7[%dma_start3A_1, %dma_start3A_2] : memref<576x64xf32, #tpu.memory_space<vmem>> -> memref<96x64xf32, #tpu.memory_space<vmem>>
    %dma_start3A_4 = arith.constant 0 : i32
    %dma_start3A_5 = tpu.memref_slice %arg6[%dma_start3A, %dma_start3A_4] : memref<6x96xi32, #tpu.memory_space<vmem>> -> memref<1x96xi32, #tpu.memory_space<vmem>>
    %dma_start3A_6 = tpu.memref_squeeze %dma_start3A_5 : memref<1x96xi32, #tpu.memory_space<vmem>> -> memref<96xi32, #tpu.memory_space<vmem>>
    %dma_start3A_7 = arith.constant 0 : i32
    %dma_start3A_8 = arith.constant 0 : i32
    %dma_start3A_9 = tpu.memref_slice %arg2[%dma_start3A_7, %dma_start3A_8] : memref<1024x64xf32, #tpu.memory_space<hbm>> -> memref<1024x64xf32, #tpu.memory_space<hbm>>
    tpu.enqueue_indirect_dma source(%dma_start3A_9 : memref<1024x64xf32, #tpu.memory_space<hbm>>) target(%dma_start3A_3 : memref<96x64xf32, #tpu.memory_space<vmem>>) offsets(%dma_start3A_6 : memref<96xi32, #tpu.memory_space<vmem>>) semaphore(%arg11 : memref<!tpu.dma_semaphore, #tpu.memory_space<semaphore_mem>>)
    %dma_start3A_10 = arith.constant 1 : i32
    %dma_start3A_11 = arith.constant 96 : i32
    %dma_start3A_12 = arith.constant 0 : i32
    %dma_start3A_13 = tpu.memref_slice %arg7[%dma_start3A_11, %dma_start3A_12] : memref<576x64xf32, #tpu.memory_space<vmem>> -> memref<96x64xf32, #tpu.memory_space<vmem>>
    %dma_start3A_14 = arith.constant 0 : i32
    %dma_start3A_15 = tpu.memref_slice %arg6[%dma_start3A_10, %dma_start3A_14] : memref<6x96xi32, #tpu.memory_space<vmem>> -> memref<1x96xi32, #tpu.memory_space<vmem>>
    %dma_start3A_16 = tpu.memref_squeeze %dma_start3A_15 : memref<1x96xi32, #tpu.memory_space<vmem>> -> memref<96xi32, #tpu.memory_space<vmem>>
    %dma_start3A_17 = arith.constant 0 : i32
    %dma_start3A_18 = arith.constant 0 : i32
    %dma_start3A_19 = tpu.memref_slice %arg2[%dma_start3A_17, %dma_start3A_18] : memref<1024x64xf32, #tpu.memory_space<hbm>> -> memref<1024x64xf32, #tpu.memory_space<hbm>>
    tpu.enqueue_indirect_dma source(%dma_start3A_19 : memref<1024x64xf32, #tpu.memory_space<hbm>>) target(%dma_start3A_13 : memref<96x64xf32, #tpu.memory_space<vmem>>) offsets(%dma_start3A_16 : memref<96xi32, #tpu.memory_space<vmem>>) semaphore(%arg11 : memref<!tpu.dma_semaphore, #tpu.memory_space<semaphore_mem>>)
    %dma_start3A_20 = arith.constant 2 : i32
    %dma_start3A_21 = arith.constant 192 : i32
    %dma_start3A_22 = arith.constant 0 : i32
    %dma_start3A_23 = tpu.memref_slice %arg7[%dma_start3A_21, %dma_start3A_22] : memref<576x64xf32, #tpu.memory_space<vmem>> -> memref<96x64xf32, #tpu.memory_space<vmem>>
    %dma_start3A_24 = arith.constant 0 : i32
    %dma_start3A_25 = tpu.memref_slice %arg6[%dma_start3A_20, %dma_start3A_24] : memref<6x96xi32, #tpu.memory_space<vmem>> -> memref<1x96xi32, #tpu.memory_space<vmem>>
    %dma_start3A_26 = tpu.memref_squeeze %dma_start3A_25 : memref<1x96xi32, #tpu.memory_space<vmem>> -> memref<96xi32, #tpu.memory_space<vmem>>
    %dma_start3A_27 = arith.constant 0 : i32
    %dma_start3A_28 = arith.constant 0 : i32
    %dma_start3A_29 = tpu.memref_slice %arg2[%dma_start3A_27, %dma_start3A_28] : memref<1024x64xf32, #tpu.memory_space<hbm>> -> memref<1024x64xf32, #tpu.memory_space<hbm>>
    tpu.enqueue_indirect_dma source(%dma_start3A_29 : memref<1024x64xf32, #tpu.memory_space<hbm>>) target(%dma_start3A_23 : memref<96x64xf32, #tpu.memory_space<vmem>>) offsets(%dma_start3A_26 : memref<96xi32, #tpu.memory_space<vmem>>) semaphore(%arg11 : memref<!tpu.dma_semaphore, #tpu.memory_space<semaphore_mem>>)
    %dma_start3A_30 = arith.constant 3 : i32
    %dma_start3A_31 = arith.constant 288 : i32
    %dma_start3A_32 = arith.constant 0 : i32
    %dma_start3A_33 = tpu.memref_slice %arg7[%dma_start3A_31, %dma_start3A_32] : memref<576x64xf32, #tpu.memory_space<vmem>> -> memref<96x64xf32, #tpu.memory_space<vmem>>
    %dma_start3A_34 = arith.constant 0 : i32
    %dma_start3A_35 = tpu.memref_slice %arg6[%dma_start3A_30, %dma_start3A_34] : memref<6x96xi32, #tpu.memory_space<vmem>> -> memref<1x96xi32, #tpu.memory_space<vmem>>
    %dma_start3A_36 = tpu.memref_squeeze %dma_start3A_35 : memref<1x96xi32, #tpu.memory_space<vmem>> -> memref<96xi32, #tpu.memory_space<vmem>>
    %dma_start3A_37 = arith.constant 0 : i32
    %dma_start3A_38 = arith.constant 0 : i32
    %dma_start3A_39 = tpu.memref_slice %arg2[%dma_start3A_37, %dma_start3A_38] : memref<1024x64xf32, #tpu.memory_space<hbm>> -> memref<1024x64xf32, #tpu.memory_space<hbm>>
    tpu.enqueue_indirect_dma source(%dma_start3A_39 : memref<1024x64xf32, #tpu.memory_space<hbm>>) target(%dma_start3A_33 : memref<96x64xf32, #tpu.memory_space<vmem>>) offsets(%dma_start3A_36 : memref<96xi32, #tpu.memory_space<vmem>>) semaphore(%arg11 : memref<!tpu.dma_semaphore, #tpu.memory_space<semaphore_mem>>)
    %dma_start3A_40 = arith.constant 4 : i32
    %dma_start3A_41 = arith.constant 384 : i32
    %dma_start3A_42 = arith.constant 0 : i32
    %dma_start3A_43 = tpu.memref_slice %arg7[%dma_start3A_41, %dma_start3A_42] : memref<576x64xf32, #tpu.memory_space<vmem>> -> memref<96x64xf32, #tpu.memory_space<vmem>>
    %dma_start3A_44 = arith.constant 0 : i32
    %dma_start3A_45 = tpu.memref_slice %arg6[%dma_start3A_40, %dma_start3A_44] : memref<6x96xi32, #tpu.memory_space<vmem>> -> memref<1x96xi32, #tpu.memory_space<vmem>>
    %dma_start3A_46 = tpu.memref_squeeze %dma_start3A_45 : memref<1x96xi32, #tpu.memory_space<vmem>> -> memref<96xi32, #tpu.memory_space<vmem>>
    %dma_start3A_47 = arith.constant 0 : i32
    %dma_start3A_48 = arith.constant 0 : i32
    %dma_start3A_49 = tpu.memref_slice %arg2[%dma_start3A_47, %dma_start3A_48] : memref<1024x64xf32, #tpu.memory_space<hbm>> -> memref<1024x64xf32, #tpu.memory_space<hbm>>
    tpu.enqueue_indirect_dma source(%dma_start3A_49 : memref<1024x64xf32, #tpu.memory_space<hbm>>) target(%dma_start3A_43 : memref<96x64xf32, #tpu.memory_space<vmem>>) offsets(%dma_start3A_46 : memref<96xi32, #tpu.memory_space<vmem>>) semaphore(%arg11 : memref<!tpu.dma_semaphore, #tpu.memory_space<semaphore_mem>>)
    %dma_start3A_50 = arith.constant 5 : i32
    %dma_start3A_51 = arith.constant 480 : i32
    %dma_start3A_52 = arith.constant 0 : i32
    %dma_start3A_53 = tpu.memref_slice %arg7[%dma_start3A_51, %dma_start3A_52] : memref<576x64xf32, #tpu.memory_space<vmem>> -> memref<96x64xf32, #tpu.memory_space<vmem>>
    %dma_start3A_54 = arith.constant 0 : i32
    %dma_start3A_55 = tpu.memref_slice %arg6[%dma_start3A_50, %dma_start3A_54] : memref<6x96xi32, #tpu.memory_space<vmem>> -> memref<1x96xi32, #tpu.memory_space<vmem>>
    %dma_start3A_56 = tpu.memref_squeeze %dma_start3A_55 : memref<1x96xi32, #tpu.memory_space<vmem>> -> memref<96xi32, #tpu.memory_space<vmem>>
    %dma_start3A_57 = arith.constant 0 : i32
    %dma_start3A_58 = arith.constant 0 : i32
    %dma_start3A_59 = tpu.memref_slice %arg2[%dma_start3A_57, %dma_start3A_58] : memref<1024x64xf32, #tpu.memory_space<hbm>> -> memref<1024x64xf32, #tpu.memory_space<hbm>>
    tpu.enqueue_indirect_dma source(%dma_start3A_59 : memref<1024x64xf32, #tpu.memory_space<hbm>>) target(%dma_start3A_53 : memref<96x64xf32, #tpu.memory_space<vmem>>) offsets(%dma_start3A_56 : memref<96xi32, #tpu.memory_space<vmem>>) semaphore(%arg11 : memref<!tpu.dma_semaphore, #tpu.memory_space<semaphore_mem>>)
    %scan3A = arith.constant 0 : i32
    %scan3A_60 = arith.constant 0 : i32
    %scan3A_61 = arith.constant 64 : i32
    %scan3A_62 = arith.addi %scan3A_60, %scan3A_61 : i32
    %scan3A_63 = arith.constant 1 : i32
    %scan3A_64 = scf.for %scan3A_158 = %scan3A_60 to %scan3A_62 step %scan3A_63 iter_args(%scan3A_159 = %scan3A) -> (i32)  : i32 {
      %broadcast_in_dim3A = arith.constant 0.000000e+00 : f32
      %broadcast_in_dim3A_160 = vector.broadcast %broadcast_in_dim3A : f32 to vector<16xf32>
      %swap3A = arith.index_cast %scan3A_158 : i32 to index
      %swap3A_161 = arith.constant 0 : index
      %swap3A_162 = tpu.vector_load %arg8[%swap3A, %swap3A_161] {strides = array<i32>} : memref<64x16xf32, #tpu.memory_space<vmem>>, vector<1x16xf32>,
      %swap3A_163 = vector.shape_cast %swap3A_162 : vector<1x16xf32> to vector<16xf32>
      %swap3A_164 = vector.shape_cast %broadcast_in_dim3A_160 : vector<16xf32> to vector<1x16xf32>
      tpu.vector_store %arg8[%swap3A, %swap3A_161], %swap3A_164 {strides = array<i32>} : memref<64x16xf32, #tpu.memory_space<vmem>>, vector<1x16xf32>,
      %scan3A_165 = arith.constant 0 : i32
      scf.yield %scan3A_165 : i32
    }
    %scan3A_65 = arith.constant 64 : i32
    %scan3A_66 = arith.constant 0 : i32
    %scan3A_67 = arith.constant 0 : i32
    %scan3A_68 = arith.constant 96 : i32
    %scan3A_69 = arith.addi %scan3A_67, %scan3A_68 : i32
    %scan3A_70 = arith.constant 1 : i32
    %scan3A_71 = scf.for %scan3A_158 = %scan3A_67 to %scan3A_69 step %scan3A_70 iter_args(%scan3A_159 = %scan3A_66) -> (i32)  : i32 {
      %broadcast_in_dim3A = arith.constant 1.000000e+00 : f32
      %broadcast_in_dim3A_160 = vector.broadcast %broadcast_in_dim3A : f32 to vector<16xf32>
      %swap3A = arith.index_cast %scan3A_158 : i32 to index
      %swap3A_161 = arith.constant 0 : index
      %swap3A_162 = tpu.vector_load %arg9[%swap3A, %swap3A_161] {strides = array<i32>} : memref<96x16xf32, #tpu.memory_space<vmem>>, vector<1x16xf32>,
      %swap3A_163 = vector.shape_cast %swap3A_162 : vector<1x16xf32> to vector<16xf32>
      %swap3A_164 = vector.shape_cast %broadcast_in_dim3A_160 : vector<16xf32> to vector<1x16xf32>
      tpu.vector_store %arg9[%swap3A, %swap3A_161], %swap3A_164 {strides = array<i32>} : memref<96x16xf32, #tpu.memory_space<vmem>>, vector<1x16xf32>,
      %scan3A_165 = arith.constant 0 : i32
      scf.yield %scan3A_165 : i32
    }
    %scan3A_72 = arith.constant 96 : i32
    %mul3A_73 = arith.constant 64 : i32
    %mul3A_74 = arith.muli %arg1, %mul3A_73 : i32
    "tpu.region"() ({
      %run_scoped3A_158 = tpu.sem_alloc : memref<!tpu.dma_semaphore, #tpu.memory_space<semaphore_mem>>
      %dma_start3A_159 = arith.constant 0 : i32
      %dma_start3A_160 = tpu.memref_slice %arg10[%mul3A_74, %dma_start3A_159] : memref<1024x16xf32, #tpu.memory_space<vmem_shared>> -> memref<64x16xf32, #tpu.memory_space<vmem_shared>>
      %dma_start3A_161 = arith.constant 0 : i32
      %dma_start3A_162 = tpu.memref_slice %arg10[%mul3A_74, %dma_start3A_161] : memref<1024x16xf32, #tpu.memory_space<vmem_shared>> -> memref<64x16xf32, #tpu.memory_space<vmem_shared>>
      tpu.enqueue_dma source(%arg8 : memref<64x16xf32, #tpu.memory_space<vmem>>) target(%dma_start3A_162 : memref<64x16xf32, #tpu.memory_space<vmem_shared>>) target_semaphore(%run_scoped3A_158 : memref<!tpu.dma_semaphore, #tpu.memory_space<semaphore_mem>>)
      %dma_wait3A_163 = arith.constant 0 : i32
      %dma_wait3A_164 = tpu.memref_slice %arg10[%mul3A_74, %dma_wait3A_163] : memref<1024x16xf32, #tpu.memory_space<vmem_shared>> -> memref<64x16xf32, #tpu.memory_space<vmem_shared>>
      %dma_wait3A_165 = arith.constant 0 : i32
      %dma_wait3A_166 = tpu.memref_slice %arg10[%mul3A_74, %dma_wait3A_165] : memref<1024x16xf32, #tpu.memory_space<vmem_shared>> -> memref<64x16xf32, #tpu.memory_space<vmem_shared>>
      tpu.wait_dma2 semaphore(%run_scoped3A_158 : memref<!tpu.dma_semaphore, #tpu.memory_space<semaphore_mem>>) src(%arg8 : memref<64x16xf32, #tpu.memory_space<vmem>>) dst(%dma_wait3A_166 : memref<64x16xf32, #tpu.memory_space<vmem_shared>>)
      tpu.yield
    }) : () -> ()
    %barrier3A = arith.constant 0 : index
    tpu.barrier barrier_id(%barrier3A)
    %run_scoped3A = arith.constant 0 : i32
    "tpu.region"() ({
      %run_scoped3A_158 = tpu.sem_alloc : memref<!tpu.dma_semaphore, #tpu.memory_space<semaphore_mem>>
      %dma_start3A_159 = arith.constant 0 : i32
      %dma_start3A_160 = tpu.memref_slice %arg6[%run_scoped3A, %dma_start3A_159] : memref<6x96xi32, #tpu.memory_space<vmem>> -> memref<1x96xi32, #tpu.memory_space<vmem>>
      %dma_start3A_161 = tpu.memref_squeeze %dma_start3A_160 : memref<1x96xi32, #tpu.memory_space<vmem>> -> memref<96xi32, #tpu.memory_space<vmem>>
      %dma_start3A_162 = arith.constant 0 : i32
      %dma_start3A_163 = arith.constant 0 : i32
      %dma_start3A_164 = tpu.memref_slice %arg10[%dma_start3A_162, %dma_start3A_163] : memref<1024x16xf32, #tpu.memory_space<vmem_shared>> -> memref<1024x16xf32, #tpu.memory_space<vmem_shared>>
      tpu.enqueue_indirect_dma source(%arg9 : memref<96x16xf32, #tpu.memory_space<vmem>>) target(%dma_start3A_164 : memref<1024x16xf32, #tpu.memory_space<vmem_shared>>) offsets(%dma_start3A_161 : memref<96xi32, #tpu.memory_space<vmem>>) semaphore(%run_scoped3A_158 : memref<!tpu.dma_semaphore, #tpu.memory_space<semaphore_mem>>) {add = true}
      %dma_wait3A_165 = arith.constant 0 : i32
      %dma_wait3A_166 = tpu.memref_slice %arg6[%run_scoped3A, %dma_wait3A_165] : memref<6x96xi32, #tpu.memory_space<vmem>> -> memref<1x96xi32, #tpu.memory_space<vmem>>
      %dma_wait3A_167 = tpu.memref_squeeze %dma_wait3A_166 : memref<1x96xi32, #tpu.memory_space<vmem>> -> memref<96xi32, #tpu.memory_space<vmem>>
      %dma_wait3A_168 = arith.constant 0 : i32
      %dma_wait3A_169 = arith.constant 0 : i32
      %dma_wait3A_170 = tpu.memref_slice %arg10[%dma_wait3A_168, %dma_wait3A_169] : memref<1024x16xf32, #tpu.memory_space<vmem_shared>> -> memref<1024x16xf32, #tpu.memory_space<vmem_shared>>
      tpu.wait_indirect_dma semaphore(%run_scoped3A_158 : memref<!tpu.dma_semaphore, #tpu.memory_space<semaphore_mem>>) src(%arg9 : memref<96x16xf32, #tpu.memory_space<vmem>>) dst(%dma_wait3A_170 : memref<1024x16xf32, #tpu.memory_space<vmem_shared>>)
      tpu.yield
    }) : () -> ()
    %run_scoped3A_75 = arith.constant 1 : i32
    "tpu.region"() ({
      %run_scoped3A_158 = tpu.sem_alloc : memref<!tpu.dma_semaphore, #tpu.memory_space<semaphore_mem>>
      %dma_start3A_159 = arith.constant 0 : i32
      %dma_start3A_160 = tpu.memref_slice %arg6[%run_scoped3A_75, %dma_start3A_159] : memref<6x96xi32, #tpu.memory_space<vmem>> -> memref<1x96xi32, #tpu.memory_space<vmem>>
      %dma_start3A_161 = tpu.memref_squeeze %dma_start3A_160 : memref<1x96xi32, #tpu.memory_space<vmem>> -> memref<96xi32, #tpu.memory_space<vmem>>
      %dma_start3A_162 = arith.constant 0 : i32
      %dma_start3A_163 = arith.constant 0 : i32
      %dma_start3A_164 = tpu.memref_slice %arg10[%dma_start3A_162, %dma_start3A_163] : memref<1024x16xf32, #tpu.memory_space<vmem_shared>> -> memref<1024x16xf32, #tpu.memory_space<vmem_shared>>
      tpu.enqueue_indirect_dma source(%arg9 : memref<96x16xf32, #tpu.memory_space<vmem>>) target(%dma_start3A_164 : memref<1024x16xf32, #tpu.memory_space<vmem_shared>>) offsets(%dma_start3A_161 : memref<96xi32, #tpu.memory_space<vmem>>) semaphore(%run_scoped3A_158 : memref<!tpu.dma_semaphore, #tpu.memory_space<semaphore_mem>>) {add = true}
      %dma_wait3A_165 = arith.constant 0 : i32
      %dma_wait3A_166 = tpu.memref_slice %arg6[%run_scoped3A_75, %dma_wait3A_165] : memref<6x96xi32, #tpu.memory_space<vmem>> -> memref<1x96xi32, #tpu.memory_space<vmem>>
      %dma_wait3A_167 = tpu.memref_squeeze %dma_wait3A_166 : memref<1x96xi32, #tpu.memory_space<vmem>> -> memref<96xi32, #tpu.memory_space<vmem>>
      %dma_wait3A_168 = arith.constant 0 : i32
      %dma_wait3A_169 = arith.constant 0 : i32
      %dma_wait3A_170 = tpu.memref_slice %arg10[%dma_wait3A_168, %dma_wait3A_169] : memref<1024x16xf32, #tpu.memory_space<vmem_shared>> -> memref<1024x16xf32, #tpu.memory_space<vmem_shared>>
      tpu.wait_indirect_dma semaphore(%run_scoped3A_158 : memref<!tpu.dma_semaphore, #tpu.memory_space<semaphore_mem>>) src(%arg9 : memref<96x16xf32, #tpu.memory_space<vmem>>) dst(%dma_wait3A_170 : memref<1024x16xf32, #tpu.memory_space<vmem_shared>>)
      tpu.yield
    }) : () -> ()
    %run_scoped3A_76 = arith.constant 2 : i32
    "tpu.region"() ({
      %run_scoped3A_158 = tpu.sem_alloc : memref<!tpu.dma_semaphore, #tpu.memory_space<semaphore_mem>>
      %dma_start3A_159 = arith.constant 0 : i32
      %dma_start3A_160 = tpu.memref_slice %arg6[%run_scoped3A_76, %dma_start3A_159] : memref<6x96xi32, #tpu.memory_space<vmem>> -> memref<1x96xi32, #tpu.memory_space<vmem>>
      %dma_start3A_161 = tpu.memref_squeeze %dma_start3A_160 : memref<1x96xi32, #tpu.memory_space<vmem>> -> memref<96xi32, #tpu.memory_space<vmem>>
      %dma_start3A_162 = arith.constant 0 : i32
      %dma_start3A_163 = arith.constant 0 : i32
      %dma_start3A_164 = tpu.memref_slice %arg10[%dma_start3A_162, %dma_start3A_163] : memref<1024x16xf32, #tpu.memory_space<vmem_shared>> -> memref<1024x16xf32, #tpu.memory_space<vmem_shared>>
      tpu.enqueue_indirect_dma source(%arg9 : memref<96x16xf32, #tpu.memory_space<vmem>>) target(%dma_start3A_164 : memref<1024x16xf32, #tpu.memory_space<vmem_shared>>) offsets(%dma_start3A_161 : memref<96xi32, #tpu.memory_space<vmem>>) semaphore(%run_scoped3A_158 : memref<!tpu.dma_semaphore, #tpu.memory_space<semaphore_mem>>) {add = true}
      %dma_wait3A_165 = arith.constant 0 : i32
      %dma_wait3A_166 = tpu.memref_slice %arg6[%run_scoped3A_76, %dma_wait3A_165] : memref<6x96xi32, #tpu.memory_space<vmem>> -> memref<1x96xi32, #tpu.memory_space<vmem>>
      %dma_wait3A_167 = tpu.memref_squeeze %dma_wait3A_166 : memref<1x96xi32, #tpu.memory_space<vmem>> -> memref<96xi32, #tpu.memory_space<vmem>>
      %dma_wait3A_168 = arith.constant 0 : i32
      %dma_wait3A_169 = arith.constant 0 : i32
      %dma_wait3A_170 = tpu.memref_slice %arg10[%dma_wait3A_168, %dma_wait3A_169] : memref<1024x16xf32, #tpu.memory_space<vmem_shared>> -> memref<1024x16xf32, #tpu.memory_space<vmem_shared>>
      tpu.wait_indirect_dma semaphore(%run_scoped3A_158 : memref<!tpu.dma_semaphore, #tpu.memory_space<semaphore_mem>>) src(%arg9 : memref<96x16xf32, #tpu.memory_space<vmem>>) dst(%dma_wait3A_170 : memref<1024x16xf32, #tpu.memory_space<vmem_shared>>)
      tpu.yield
    }) : () -> ()
    %run_scoped3A_77 = arith.constant 3 : i32
    "tpu.region"() ({
      %run_scoped3A_158 = tpu.sem_alloc : memref<!tpu.dma_semaphore, #tpu.memory_space<semaphore_mem>>
      %dma_start3A_159 = arith.constant 0 : i32
      %dma_start3A_160 = tpu.memref_slice %arg6[%run_scoped3A_77, %dma_start3A_159] : memref<6x96xi32, #tpu.memory_space<vmem>> -> memref<1x96xi32, #tpu.memory_space<vmem>>
      %dma_start3A_161 = tpu.memref_squeeze %dma_start3A_160 : memref<1x96xi32, #tpu.memory_space<vmem>> -> memref<96xi32, #tpu.memory_space<vmem>>
      %dma_start3A_162 = arith.constant 0 : i32
      %dma_start3A_163 = arith.constant 0 : i32
      %dma_start3A_164 = tpu.memref_slice %arg10[%dma_start3A_162, %dma_start3A_163] : memref<1024x16xf32, #tpu.memory_space<vmem_shared>> -> memref<1024x16xf32, #tpu.memory_space<vmem_shared>>
      tpu.enqueue_indirect_dma source(%arg9 : memref<96x16xf32, #tpu.memory_space<vmem>>) target(%dma_start3A_164 : memref<1024x16xf32, #tpu.memory_space<vmem_shared>>) offsets(%dma_start3A_161 : memref<96xi32, #tpu.memory_space<vmem>>) semaphore(%run_scoped3A_158 : memref<!tpu.dma_semaphore, #tpu.memory_space<semaphore_mem>>) {add = true}
      %dma_wait3A_165 = arith.constant 0 : i32
      %dma_wait3A_166 = tpu.memref_slice %arg6[%run_scoped3A_77, %dma_wait3A_165] : memref<6x96xi32, #tpu.memory_space<vmem>> -> memref<1x96xi32, #tpu.memory_space<vmem>>
      %dma_wait3A_167 = tpu.memref_squeeze %dma_wait3A_166 : memref<1x96xi32, #tpu.memory_space<vmem>> -> memref<96xi32, #tpu.memory_space<vmem>>
      %dma_wait3A_168 = arith.constant 0 : i32
      %dma_wait3A_169 = arith.constant 0 : i32
      %dma_wait3A_170 = tpu.memref_slice %arg10[%dma_wait3A_168, %dma_wait3A_169] : memref<1024x16xf32, #tpu.memory_space<vmem_shared>> -> memref<1024x16xf32, #tpu.memory_space<vmem_shared>>
      tpu.wait_indirect_dma semaphore(%run_scoped3A_158 : memref<!tpu.dma_semaphore, #tpu.memory_space<semaphore_mem>>) src(%arg9 : memref<96x16xf32, #tpu.memory_space<vmem>>) dst(%dma_wait3A_170 : memref<1024x16xf32, #tpu.memory_space<vmem_shared>>)
      tpu.yield
    }) : () -> ()
    %run_scoped3A_78 = arith.constant 4 : i32
    "tpu.region"() ({
      %run_scoped3A_158 = tpu.sem_alloc : memref<!tpu.dma_semaphore, #tpu.memory_space<semaphore_mem>>
      %dma_start3A_159 = arith.constant 0 : i32
      %dma_start3A_160 = tpu.memref_slice %arg6[%run_scoped3A_78, %dma_start3A_159] : memref<6x96xi32, #tpu.memory_space<vmem>> -> memref<1x96xi32, #tpu.memory_space<vmem>>
      %dma_start3A_161 = tpu.memref_squeeze %dma_start3A_160 : memref<1x96xi32, #tpu.memory_space<vmem>> -> memref<96xi32, #tpu.memory_space<vmem>>
      %dma_start3A_162 = arith.constant 0 : i32
      %dma_start3A_163 = arith.constant 0 : i32
      %dma_start3A_164 = tpu.memref_slice %arg10[%dma_start3A_162, %dma_start3A_163] : memref<1024x16xf32, #tpu.memory_space<vmem_shared>> -> memref<1024x16xf32, #tpu.memory_space<vmem_shared>>
      tpu.enqueue_indirect_dma source(%arg9 : memref<96x16xf32, #tpu.memory_space<vmem>>) target(%dma_start3A_164 : memref<1024x16xf32, #tpu.memory_space<vmem_shared>>) offsets(%dma_start3A_161 : memref<96xi32, #tpu.memory_space<vmem>>) semaphore(%run_scoped3A_158 : memref<!tpu.dma_semaphore, #tpu.memory_space<semaphore_mem>>) {add = true}
      %dma_wait3A_165 = arith.constant 0 : i32
      %dma_wait3A_166 = tpu.memref_slice %arg6[%run_scoped3A_78, %dma_wait3A_165] : memref<6x96xi32, #tpu.memory_space<vmem>> -> memref<1x96xi32, #tpu.memory_space<vmem>>
      %dma_wait3A_167 = tpu.memref_squeeze %dma_wait3A_166 : memref<1x96xi32, #tpu.memory_space<vmem>> -> memref<96xi32, #tpu.memory_space<vmem>>
      %dma_wait3A_168 = arith.constant 0 : i32
      %dma_wait3A_169 = arith.constant 0 : i32
      %dma_wait3A_170 = tpu.memref_slice %arg10[%dma_wait3A_168, %dma_wait3A_169] : memref<1024x16xf32, #tpu.memory_space<vmem_shared>> -> memref<1024x16xf32, #tpu.memory_space<vmem_shared>>
      tpu.wait_indirect_dma semaphore(%run_scoped3A_158 : memref<!tpu.dma_semaphore, #tpu.memory_space<semaphore_mem>>) src(%arg9 : memref<96x16xf32, #tpu.memory_space<vmem>>) dst(%dma_wait3A_170 : memref<1024x16xf32, #tpu.memory_space<vmem_shared>>)
      tpu.yield
    }) : () -> ()
    %run_scoped3A_79 = arith.constant 5 : i32
    "tpu.region"() ({
      %run_scoped3A_158 = tpu.sem_alloc : memref<!tpu.dma_semaphore, #tpu.memory_space<semaphore_mem>>
      %dma_start3A_159 = arith.constant 0 : i32
      %dma_start3A_160 = tpu.memref_slice %arg6[%run_scoped3A_79, %dma_start3A_159] : memref<6x96xi32, #tpu.memory_space<vmem>> -> memref<1x96xi32, #tpu.memory_space<vmem>>
      %dma_start3A_161 = tpu.memref_squeeze %dma_start3A_160 : memref<1x96xi32, #tpu.memory_space<vmem>> -> memref<96xi32, #tpu.memory_space<vmem>>
      %dma_start3A_162 = arith.constant 0 : i32
      %dma_start3A_163 = arith.constant 0 : i32
      %dma_start3A_164 = tpu.memref_slice %arg10[%dma_start3A_162, %dma_start3A_163] : memref<1024x16xf32, #tpu.memory_space<vmem_shared>> -> memref<1024x16xf32, #tpu.memory_space<vmem_shared>>
      tpu.enqueue_indirect_dma source(%arg9 : memref<96x16xf32, #tpu.memory_space<vmem>>) target(%dma_start3A_164 : memref<1024x16xf32, #tpu.memory_space<vmem_shared>>) offsets(%dma_start3A_161 : memref<96xi32, #tpu.memory_space<vmem>>) semaphore(%run_scoped3A_158 : memref<!tpu.dma_semaphore, #tpu.memory_space<semaphore_mem>>) {add = true}
      %dma_wait3A_165 = arith.constant 0 : i32
      %dma_wait3A_166 = tpu.memref_slice %arg6[%run_scoped3A_79, %dma_wait3A_165] : memref<6x96xi32, #tpu.memory_space<vmem>> -> memref<1x96xi32, #tpu.memory_space<vmem>>
      %dma_wait3A_167 = tpu.memref_squeeze %dma_wait3A_166 : memref<1x96xi32, #tpu.memory_space<vmem>> -> memref<96xi32, #tpu.memory_space<vmem>>
      %dma_wait3A_168 = arith.constant 0 : i32
      %dma_wait3A_169 = arith.constant 0 : i32
      %dma_wait3A_170 = tpu.memref_slice %arg10[%dma_wait3A_168, %dma_wait3A_169] : memref<1024x16xf32, #tpu.memory_space<vmem_shared>> -> memref<1024x16xf32, #tpu.memory_space<vmem_shared>>
      tpu.wait_indirect_dma semaphore(%run_scoped3A_158 : memref<!tpu.dma_semaphore, #tpu.memory_space<semaphore_mem>>) src(%arg9 : memref<96x16xf32, #tpu.memory_space<vmem>>) dst(%dma_wait3A_170 : memref<1024x16xf32, #tpu.memory_space<vmem_shared>>)
      tpu.yield
    }) : () -> ()
    %dma_wait3A = arith.constant 0 : i32
    %dma_wait3A_80 = arith.constant 0 : i32
    %dma_wait3A_81 = arith.constant 0 : i32
    %dma_wait3A_82 = tpu.memref_slice %arg7[%dma_wait3A_80, %dma_wait3A_81] : memref<576x64xf32, #tpu.memory_space<vmem>> -> memref<96x64xf32, #tpu.memory_space<vmem>>
    %dma_wait3A_83 = arith.constant 0 : i32
    %dma_wait3A_84 = tpu.memref_slice %arg6[%dma_wait3A, %dma_wait3A_83] : memref<6x96xi32, #tpu.memory_space<vmem>> -> memref<1x96xi32, #tpu.memory_space<vmem>>
    %dma_wait3A_85 = tpu.memref_squeeze %dma_wait3A_84 : memref<1x96xi32, #tpu.memory_space<vmem>> -> memref<96xi32, #tpu.memory_space<vmem>>
    %dma_wait3A_86 = arith.constant 0 : i32
    %dma_wait3A_87 = arith.constant 0 : i32
    %dma_wait3A_88 = tpu.memref_slice %arg2[%dma_wait3A_86, %dma_wait3A_87] : memref<1024x64xf32, #tpu.memory_space<hbm>> -> memref<1024x64xf32, #tpu.memory_space<hbm>>
    tpu.wait_indirect_dma semaphore(%arg11 : memref<!tpu.dma_semaphore, #tpu.memory_space<semaphore_mem>>) src(%dma_wait3A_88 : memref<1024x64xf32, #tpu.memory_space<hbm>>) dst(%dma_wait3A_82 : memref<96x64xf32, #tpu.memory_space<vmem>>)
    %dma_wait3A_89 = arith.constant 1 : i32
    %dma_wait3A_90 = arith.constant 96 : i32
    %dma_wait3A_91 = arith.constant 0 : i32
    %dma_wait3A_92 = tpu.memref_slice %arg7[%dma_wait3A_90, %dma_wait3A_91] : memref<576x64xf32, #tpu.memory_space<vmem>> -> memref<96x64xf32, #tpu.memory_space<vmem>>
    %dma_wait3A_93 = arith.constant 0 : i32
    %dma_wait3A_94 = tpu.memref_slice %arg6[%dma_wait3A_89, %dma_wait3A_93] : memref<6x96xi32, #tpu.memory_space<vmem>> -> memref<1x96xi32, #tpu.memory_space<vmem>>
    %dma_wait3A_95 = tpu.memref_squeeze %dma_wait3A_94 : memref<1x96xi32, #tpu.memory_space<vmem>> -> memref<96xi32, #tpu.memory_space<vmem>>
    %dma_wait3A_96 = arith.constant 0 : i32
    %dma_wait3A_97 = arith.constant 0 : i32
    %dma_wait3A_98 = tpu.memref_slice %arg2[%dma_wait3A_96, %dma_wait3A_97] : memref<1024x64xf32, #tpu.memory_space<hbm>> -> memref<1024x64xf32, #tpu.memory_space<hbm>>
    tpu.wait_indirect_dma semaphore(%arg11 : memref<!tpu.dma_semaphore, #tpu.memory_space<semaphore_mem>>) src(%dma_wait3A_98 : memref<1024x64xf32, #tpu.memory_space<hbm>>) dst(%dma_wait3A_92 : memref<96x64xf32, #tpu.memory_space<vmem>>)
    %dma_wait3A_99 = arith.constant 2 : i32
    %dma_wait3A_100 = arith.constant 192 : i32
    %dma_wait3A_101 = arith.constant 0 : i32
    %dma_wait3A_102 = tpu.memref_slice %arg7[%dma_wait3A_100, %dma_wait3A_101] : memref<576x64xf32, #tpu.memory_space<vmem>> -> memref<96x64xf32, #tpu.memory_space<vmem>>
    %dma_wait3A_103 = arith.constant 0 : i32
    %dma_wait3A_104 = tpu.memref_slice %arg6[%dma_wait3A_99, %dma_wait3A_103] : memref<6x96xi32, #tpu.memory_space<vmem>> -> memref<1x96xi32, #tpu.memory_space<vmem>>
    %dma_wait3A_105 = tpu.memref_squeeze %dma_wait3A_104 : memref<1x96xi32, #tpu.memory_space<vmem>> -> memref<96xi32, #tpu.memory_space<vmem>>
    %dma_wait3A_106 = arith.constant 0 : i32
    %dma_wait3A_107 = arith.constant 0 : i32
    %dma_wait3A_108 = tpu.memref_slice %arg2[%dma_wait3A_106, %dma_wait3A_107] : memref<1024x64xf32, #tpu.memory_space<hbm>> -> memref<1024x64xf32, #tpu.memory_space<hbm>>
    tpu.wait_indirect_dma semaphore(%arg11 : memref<!tpu.dma_semaphore, #tpu.memory_space<semaphore_mem>>) src(%dma_wait3A_108 : memref<1024x64xf32, #tpu.memory_space<hbm>>) dst(%dma_wait3A_102 : memref<96x64xf32, #tpu.memory_space<vmem>>)
    %dma_wait3A_109 = arith.constant 3 : i32
    %dma_wait3A_110 = arith.constant 288 : i32
    %dma_wait3A_111 = arith.constant 0 : i32
    %dma_wait3A_112 = tpu.memref_slice %arg7[%dma_wait3A_110, %dma_wait3A_111] : memref<576x64xf32, #tpu.memory_space<vmem>> -> memref<96x64xf32, #tpu.memory_space<vmem>>
    %dma_wait3A_113 = arith.constant 0 : i32
    %dma_wait3A_114 = tpu.memref_slice %arg6[%dma_wait3A_109, %dma_wait3A_113] : memref<6x96xi32, #tpu.memory_space<vmem>> -> memref<1x96xi32, #tpu.memory_space<vmem>>
    %dma_wait3A_115 = tpu.memref_squeeze %dma_wait3A_114 : memref<1x96xi32, #tpu.memory_space<vmem>> -> memref<96xi32, #tpu.memory_space<vmem>>
    %dma_wait3A_116 = arith.constant 0 : i32
    %dma_wait3A_117 = arith.constant 0 : i32
    %dma_wait3A_118 = tpu.memref_slice %arg2[%dma_wait3A_116, %dma_wait3A_117] : memref<1024x64xf32, #tpu.memory_space<hbm>> -> memref<1024x64xf32, #tpu.memory_space<hbm>>
    tpu.wait_indirect_dma semaphore(%arg11 : memref<!tpu.dma_semaphore, #tpu.memory_space<semaphore_mem>>) src(%dma_wait3A_118 : memref<1024x64xf32, #tpu.memory_space<hbm>>) dst(%dma_wait3A_112 : memref<96x64xf32, #tpu.memory_space<vmem>>)
    %dma_wait3A_119 = arith.constant 4 : i32
    %dma_wait3A_120 = arith.constant 384 : i32
    %dma_wait3A_121 = arith.constant 0 : i32
    %dma_wait3A_122 = tpu.memref_slice %arg7[%dma_wait3A_120, %dma_wait3A_121] : memref<576x64xf32, #tpu.memory_space<vmem>> -> memref<96x64xf32, #tpu.memory_space<vmem>>
    %dma_wait3A_123 = arith.constant 0 : i32
    %dma_wait3A_124 = tpu.memref_slice %arg6[%dma_wait3A_119, %dma_wait3A_123] : memref<6x96xi32, #tpu.memory_space<vmem>> -> memref<1x96xi32, #tpu.memory_space<vmem>>
    %dma_wait3A_125 = tpu.memref_squeeze %dma_wait3A_124 : memref<1x96xi32, #tpu.memory_space<vmem>> -> memref<96xi32, #tpu.memory_space<vmem>>
    %dma_wait3A_126 = arith.constant 0 : i32
    %dma_wait3A_127 = arith.constant 0 : i32
    %dma_wait3A_128 = tpu.memref_slice %arg2[%dma_wait3A_126, %dma_wait3A_127] : memref<1024x64xf32, #tpu.memory_space<hbm>> -> memref<1024x64xf32, #tpu.memory_space<hbm>>
    tpu.wait_indirect_dma semaphore(%arg11 : memref<!tpu.dma_semaphore, #tpu.memory_space<semaphore_mem>>) src(%dma_wait3A_128 : memref<1024x64xf32, #tpu.memory_space<hbm>>) dst(%dma_wait3A_122 : memref<96x64xf32, #tpu.memory_space<vmem>>)
    %dma_wait3A_129 = arith.constant 5 : i32
    %dma_wait3A_130 = arith.constant 480 : i32
    %dma_wait3A_131 = arith.constant 0 : i32
    %dma_wait3A_132 = tpu.memref_slice %arg7[%dma_wait3A_130, %dma_wait3A_131] : memref<576x64xf32, #tpu.memory_space<vmem>> -> memref<96x64xf32, #tpu.memory_space<vmem>>
    %dma_wait3A_133 = arith.constant 0 : i32
    %dma_wait3A_134 = tpu.memref_slice %arg6[%dma_wait3A_129, %dma_wait3A_133] : memref<6x96xi32, #tpu.memory_space<vmem>> -> memref<1x96xi32, #tpu.memory_space<vmem>>
    %dma_wait3A_135 = tpu.memref_squeeze %dma_wait3A_134 : memref<1x96xi32, #tpu.memory_space<vmem>> -> memref<96xi32, #tpu.memory_space<vmem>>
    %dma_wait3A_136 = arith.constant 0 : i32
    %dma_wait3A_137 = arith.constant 0 : i32
    %dma_wait3A_138 = tpu.memref_slice %arg2[%dma_wait3A_136, %dma_wait3A_137] : memref<1024x64xf32, #tpu.memory_space<hbm>> -> memref<1024x64xf32, #tpu.memory_space<hbm>>
    tpu.wait_indirect_dma semaphore(%arg11 : memref<!tpu.dma_semaphore, #tpu.memory_space<semaphore_mem>>) src(%dma_wait3A_138 : memref<1024x64xf32, #tpu.memory_space<hbm>>) dst(%dma_wait3A_132 : memref<96x64xf32, #tpu.memory_space<vmem>>)
    %dma_start3A_139 = arith.constant 0 : i32
    %dma_start3A_140 = arith.constant 0 : i32
    %dma_start3A_141 = tpu.memref_slice %arg4[%add3A, %dma_start3A_139, %dma_start3A_140] : memref<32x576x64xf32, #tpu.memory_space<hbm>> -> memref<1x576x64xf32, #tpu.memory_space<hbm>>
    %dma_start3A_142 = tpu.memref_squeeze %dma_start3A_141 : memref<1x576x64xf32, #tpu.memory_space<hbm>> -> memref<576x64xf32, #tpu.memory_space<hbm>>
    %dma_start3A_143 = arith.constant 0 : i32
    %dma_start3A_144 = arith.constant 0 : i32
    %dma_start3A_145 = tpu.memref_slice %arg4[%add3A, %dma_start3A_143, %dma_start3A_144] : memref<32x576x64xf32, #tpu.memory_space<hbm>> -> memref<1x576x64xf32, #tpu.memory_space<hbm>>
    %dma_start3A_146 = tpu.memref_squeeze %dma_start3A_145 : memref<1x576x64xf32, #tpu.memory_space<hbm>> -> memref<576x64xf32, #tpu.memory_space<hbm>>
    tpu.enqueue_dma source(%arg7 : memref<576x64xf32, #tpu.memory_space<vmem>>) target(%dma_start3A_146 : memref<576x64xf32, #tpu.memory_space<hbm>>) target_semaphore(%arg12 : memref<!tpu.dma_semaphore, #tpu.memory_space<semaphore_mem>>)
    %barrier3A_147 = arith.constant 0 : index
    tpu.barrier barrier_id(%barrier3A_147)
    %eq3A = arith.constant 0 : i32
    %eq3A_148 = arith.cmpi eq, %arg1, %eq3A : i32
    %convert_element_type3A = arith.extui %eq3A_148 : i1 to i32
    %cond3A = arith.constant 0 : i32
    %cond3A_149 = arith.cmpi ne, %convert_element_type3A, %cond3A : i32
    scf.if %cond3A_149 {
      "tpu.region"() ({
        %run_scoped3A_158 = tpu.sem_alloc : memref<!tpu.dma_semaphore, #tpu.memory_space<semaphore_mem>>
        %dma_start3A_159 = arith.constant 0 : i32
        %dma_start3A_160 = arith.constant 0 : i32
        %dma_start3A_161 = tpu.memref_slice %arg5[%arg0, %dma_start3A_159, %dma_start3A_160] : memref<2x1024x16xf32, #tpu.memory_space<hbm>> -> memref<1x1024x16xf32, #tpu.memory_space<hbm>>
        %dma_start3A_162 = tpu.memref_squeeze %dma_start3A_161 : memref<1x1024x16xf32, #tpu.memory_space<hbm>> -> memref<1024x16xf32, #tpu.memory_space<hbm>>
        tpu.enqueue_dma source(%arg10 : memref<1024x16xf32, #tpu.memory_space<vmem_shared>>) target(%dma_start3A_162 : memref<1024x16xf32, #tpu.memory_space<hbm>>) target_semaphore(%run_scoped3A_158 : memref<!tpu.dma_semaphore, #tpu.memory_space<semaphore_mem>>)
        %dma_wait3A_163 = arith.constant 0 : i32
        %dma_wait3A_164 = arith.constant 0 : i32
        %dma_wait3A_165 = tpu.memref_slice %arg5[%arg0, %dma_wait3A_163, %dma_wait3A_164] : memref<2x1024x16xf32, #tpu.memory_space<hbm>> -> memref<1x1024x16xf32, #tpu.memory_space<hbm>>
        %dma_wait3A_166 = tpu.memref_squeeze %dma_wait3A_165 : memref<1x1024x16xf32, #tpu.memory_space<hbm>> -> memref<1024x16xf32, #tpu.memory_space<hbm>>
        tpu.wait_dma2 semaphore(%run_scoped3A_158 : memref<!tpu.dma_semaphore, #tpu.memory_space<semaphore_mem>>) src(%arg10 : memref<1024x16xf32, #tpu.memory_space<vmem_shared>>) dst(%dma_wait3A_166 : memref<1024x16xf32, #tpu.memory_space<hbm>>)
        tpu.yield
      }) : () -> ()
    } else {
    }
    %dma_wait3A_150 = arith.constant 0 : i32
    %dma_wait3A_151 = arith.constant 0 : i32
    %dma_wait3A_152 = tpu.memref_slice %arg4[%add3A, %dma_wait3A_150, %dma_wait3A_151] : memref<32x576x64xf32, #tpu.memory_space<hbm>> -> memref<1x576x64xf32, #tpu.memory_space<hbm>>
    %dma_wait3A_153 = tpu.memref_squeeze %dma_wait3A_152 : memref<1x576x64xf32, #tpu.memory_space<hbm>> -> memref<576x64xf32, #tpu.memory_space<hbm>>
    %dma_wait3A_154 = arith.constant 0 : i32
    %dma_wait3A_155 = arith.constant 0 : i32
    %dma_wait3A_156 = tpu.memref_slice %arg4[%add3A, %dma_wait3A_154, %dma_wait3A_155] : memref<32x576x64xf32, #tpu.memory_space<hbm>> -> memref<1x576x64xf32, #tpu.memory_space<hbm>>
    %dma_wait3A_157 = tpu.memref_squeeze %dma_wait3A_156 : memref<1x576x64xf32, #tpu.memory_space<hbm>> -> memref<576x64xf32, #tpu.memory_space<hbm>>
    tpu.wait_dma2 semaphore(%arg12 : memref<!tpu.dma_semaphore, #tpu.memory_space<semaphore_mem>>) src(%arg7 : memref<576x64xf32, #tpu.memory_space<vmem>>) dst(%dma_wait3A_157 : memref<576x64xf32, #tpu.memory_space<hbm>>)
    return
  }
}

module attributes {stable_mosaic.version = 14 : i64} {
  func.func @_tc_body(%arg0: i32, %arg1: memref<4x64x576xf32, #tpu.memory_space<vmem>>, %arg2: memref<1024x64xf32, #tpu.memory_space<vmem>>, %arg3: memref<1024x1xf32, #tpu.memory_space<vmem>>, %arg4: memref<4x1x576xi32, #tpu.memory_space<vmem>>) attributes {dimension_semantics = [#tpu.dimension_semantics<arbitrary>], iteration_bounds = array<i64: 8>, scalar_prefetch = 0 : i64, scratch_operands = 0 : i64, tpu.core_type = #tpu.core_type<tc>, window_params = [{transform_indices = @transform_0, window_bounds = array<i64: 4, 64, 576>}, {pipeline_mode = #tpu.pipeline_mode<synchronous>, transform_indices = @transform_1, window_bounds = array<i64: 1024, 64>}, {pipeline_mode = #tpu.pipeline_mode<synchronous>, transform_indices = @transform_2, window_bounds = array<i64: 1024, 1>}, {transform_indices = @transform_3, window_bounds = array<i64: 4, 1, 576>}]} {
    %get3A = arith.constant 0 : index
    %get3A_0 = arith.constant 0 : index
    %get3A_1 = vector.load %arg2[%get3A, %get3A_0] : memref<1024x64xf32, #tpu.memory_space<vmem>>, vector<1024x64xf32>
    %convert_element_type3A = arith.truncf %get3A_1 : vector<1024x64xf32> to vector<1024x64xbf16>
    %get3A_2 = arith.constant 0 : index
    %get3A_3 = arith.constant 0 : index
    %get3A_4 = arith.constant 0 : index
    %get3A_5 = vector.load %arg1[%get3A_2, %get3A_3, %get3A_4] : memref<4x64x576xf32, #tpu.memory_space<vmem>>, vector<1x64x576xf32>
    %get3A_6 = vector.shape_cast %get3A_5 : vector<1x64x576xf32> to vector<64x576xf32>
    %convert_element_type3A_7 = arith.truncf %get3A_6 : vector<64x576xf32> to vector<64x576xbf16>
    %dot_general3A = arith.constant dense<0.000000e+00> : vector<1024x576xf32>
    %dot_general3A_8 = tpu.matmul %convert_element_type3A, %convert_element_type3A_7, %dot_general3A {dimension_numbers = #tpu.dot_dimension_numbers<[1], [0], [0], [1], [0, 0, 1, 1], [], []>, transpose_lhs_hint = false} : vector<1024x64xbf16>, vector<64x576xbf16>, vector<1024x576xf32> -> vector<1024x576xf32>
    %mul3A = arith.mulf %get3A_6, %get3A_6 : vector<64x576xf32>
    %reduce_sum3A = arith.constant dense<0.000000e+00> : vector<576xf32>
    %reduce_sum3A_9 = vector.multi_reduction <add>, %mul3A, %reduce_sum3A [0] : vector<64x576xf32> to vector<576xf32>
    %broadcast_in_dim3A = vector.shape_cast %reduce_sum3A_9 : vector<576xf32> to vector<1x576xf32>
    %get3A_10 = arith.constant 0 : index
    %get3A_11 = arith.constant 0 : index
    %get3A_12 = vector.load %arg3[%get3A_10, %get3A_11] : memref<1024x1xf32, #tpu.memory_space<vmem>>, vector<1024x1xf32>
    %add3A = vector.broadcast %broadcast_in_dim3A : vector<1x576xf32> to vector<1024x576xf32>
    %add3A_13 = vector.broadcast %get3A_12 : vector<1024x1xf32> to vector<1024x576xf32>
    %add3A_14 = arith.addf %add3A, %add3A_13 : vector<1024x576xf32>
    %mul3A_15 = arith.constant 2.000000e+00 : f32
    %mul3A_16 = vector.broadcast %mul3A_15 : f32 to vector<1024x576xf32>
    %mul3A_17 = arith.mulf %mul3A_16, %dot_general3A_8 : vector<1024x576xf32>
    %sub3A = arith.subf %add3A_14, %mul3A_17 : vector<1024x576xf32>
    %argmin3A = tpu.reduce_index %sub3A {axis = 0 : i32, kind = #tpu.reduction_kind<arg_min>} : vector<1024x576xf32> -> vector<576xi32>
    %swap3A = arith.constant 0 : index
    %swap3A_18 = arith.constant 0 : index
    %swap3A_19 = arith.constant 0 : index
    %swap3A_20 = vector.load %arg4[%swap3A, %swap3A_18, %swap3A_19] : memref<4x1x576xi32, #tpu.memory_space<vmem>>, vector<1x1x576xi32>
    %swap3A_21 = vector.shape_cast %swap3A_20 : vector<1x1x576xi32> to vector<576xi32>
    %swap3A_22 = vector.shape_cast %argmin3A : vector<576xi32> to vector<1x1x576xi32>
    tpu.vector_store %arg4[%swap3A, %swap3A_18, %swap3A_19], %swap3A_22 {strides = array<i32>} : memref<4x1x576xi32, #tpu.memory_space<vmem>>, vector<1x1x576xi32>,
    %get3A_23 = arith.constant 1 : index
    %get3A_24 = arith.constant 0 : index
    %get3A_25 = arith.constant 0 : index
    %get3A_26 = vector.load %arg1[%get3A_23, %get3A_24, %get3A_25] : memref<4x64x576xf32, #tpu.memory_space<vmem>>, vector<1x64x576xf32>
    %get3A_27 = vector.shape_cast %get3A_26 : vector<1x64x576xf32> to vector<64x576xf32>
    %convert_element_type3A_28 = arith.truncf %get3A_27 : vector<64x576xf32> to vector<64x576xbf16>
    %dot_general3A_29 = arith.constant dense<0.000000e+00> : vector<1024x576xf32>
    %dot_general3A_30 = tpu.matmul %convert_element_type3A, %convert_element_type3A_28, %dot_general3A_29 {dimension_numbers = #tpu.dot_dimension_numbers<[1], [0], [0], [1], [0, 0, 1, 1], [], []>, transpose_lhs_hint = false} : vector<1024x64xbf16>, vector<64x576xbf16>, vector<1024x576xf32> -> vector<1024x576xf32>
    %mul3A_31 = arith.mulf %get3A_27, %get3A_27 : vector<64x576xf32>
    %reduce_sum3A_32 = arith.constant dense<0.000000e+00> : vector<576xf32>
    %reduce_sum3A_33 = vector.multi_reduction <add>, %mul3A_31, %reduce_sum3A_32 [0] : vector<64x576xf32> to vector<576xf32>
    %broadcast_in_dim3A_34 = vector.shape_cast %reduce_sum3A_33 : vector<576xf32> to vector<1x576xf32>
    %get3A_35 = arith.constant 0 : index
    %get3A_36 = arith.constant 0 : index
    %get3A_37 = vector.load %arg3[%get3A_35, %get3A_36] : memref<1024x1xf32, #tpu.memory_space<vmem>>, vector<1024x1xf32>
    %add3A_38 = vector.broadcast %broadcast_in_dim3A_34 : vector<1x576xf32> to vector<1024x576xf32>
    %add3A_39 = vector.broadcast %get3A_37 : vector<1024x1xf32> to vector<1024x576xf32>
    %add3A_40 = arith.addf %add3A_38, %add3A_39 : vector<1024x576xf32>
    %mul3A_41 = arith.constant 2.000000e+00 : f32
    %mul3A_42 = vector.broadcast %mul3A_41 : f32 to vector<1024x576xf32>
    %mul3A_43 = arith.mulf %mul3A_42, %dot_general3A_30 : vector<1024x576xf32>
    %sub3A_44 = arith.subf %add3A_40, %mul3A_43 : vector<1024x576xf32>
    %argmin3A_45 = tpu.reduce_index %sub3A_44 {axis = 0 : i32, kind = #tpu.reduction_kind<arg_min>} : vector<1024x576xf32> -> vector<576xi32>
    %swap3A_46 = arith.constant 1 : index
    %swap3A_47 = arith.constant 0 : index
    %swap3A_48 = arith.constant 0 : index
    %swap3A_49 = vector.load %arg4[%swap3A_46, %swap3A_47, %swap3A_48] : memref<4x1x576xi32, #tpu.memory_space<vmem>>, vector<1x1x576xi32>
    %swap3A_50 = vector.shape_cast %swap3A_49 : vector<1x1x576xi32> to vector<576xi32>
    %swap3A_51 = vector.shape_cast %argmin3A_45 : vector<576xi32> to vector<1x1x576xi32>
    tpu.vector_store %arg4[%swap3A_46, %swap3A_47, %swap3A_48], %swap3A_51 {strides = array<i32>} : memref<4x1x576xi32, #tpu.memory_space<vmem>>, vector<1x1x576xi32>,
    %get3A_52 = arith.constant 2 : index
    %get3A_53 = arith.constant 0 : index
    %get3A_54 = arith.constant 0 : index
    %get3A_55 = vector.load %arg1[%get3A_52, %get3A_53, %get3A_54] : memref<4x64x576xf32, #tpu.memory_space<vmem>>, vector<1x64x576xf32>
    %get3A_56 = vector.shape_cast %get3A_55 : vector<1x64x576xf32> to vector<64x576xf32>
    %convert_element_type3A_57 = arith.truncf %get3A_56 : vector<64x576xf32> to vector<64x576xbf16>
    %dot_general3A_58 = arith.constant dense<0.000000e+00> : vector<1024x576xf32>
    %dot_general3A_59 = tpu.matmul %convert_element_type3A, %convert_element_type3A_57, %dot_general3A_58 {dimension_numbers = #tpu.dot_dimension_numbers<[1], [0], [0], [1], [0, 0, 1, 1], [], []>, transpose_lhs_hint = false} : vector<1024x64xbf16>, vector<64x576xbf16>, vector<1024x576xf32> -> vector<1024x576xf32>
    %mul3A_60 = arith.mulf %get3A_56, %get3A_56 : vector<64x576xf32>
    %reduce_sum3A_61 = arith.constant dense<0.000000e+00> : vector<576xf32>
    %reduce_sum3A_62 = vector.multi_reduction <add>, %mul3A_60, %reduce_sum3A_61 [0] : vector<64x576xf32> to vector<576xf32>
    %broadcast_in_dim3A_63 = vector.shape_cast %reduce_sum3A_62 : vector<576xf32> to vector<1x576xf32>
    %get3A_64 = arith.constant 0 : index
    %get3A_65 = arith.constant 0 : index
    %get3A_66 = vector.load %arg3[%get3A_64, %get3A_65] : memref<1024x1xf32, #tpu.memory_space<vmem>>, vector<1024x1xf32>
    %add3A_67 = vector.broadcast %broadcast_in_dim3A_63 : vector<1x576xf32> to vector<1024x576xf32>
    %add3A_68 = vector.broadcast %get3A_66 : vector<1024x1xf32> to vector<1024x576xf32>
    %add3A_69 = arith.addf %add3A_67, %add3A_68 : vector<1024x576xf32>
    %mul3A_70 = arith.constant 2.000000e+00 : f32
    %mul3A_71 = vector.broadcast %mul3A_70 : f32 to vector<1024x576xf32>
    %mul3A_72 = arith.mulf %mul3A_71, %dot_general3A_59 : vector<1024x576xf32>
    %sub3A_73 = arith.subf %add3A_69, %mul3A_72 : vector<1024x576xf32>
    %argmin3A_74 = tpu.reduce_index %sub3A_73 {axis = 0 : i32, kind = #tpu.reduction_kind<arg_min>} : vector<1024x576xf32> -> vector<576xi32>
    %swap3A_75 = arith.constant 2 : index
    %swap3A_76 = arith.constant 0 : index
    %swap3A_77 = arith.constant 0 : index
    %swap3A_78 = vector.load %arg4[%swap3A_75, %swap3A_76, %swap3A_77] : memref<4x1x576xi32, #tpu.memory_space<vmem>>, vector<1x1x576xi32>
    %swap3A_79 = vector.shape_cast %swap3A_78 : vector<1x1x576xi32> to vector<576xi32>
    %swap3A_80 = vector.shape_cast %argmin3A_74 : vector<576xi32> to vector<1x1x576xi32>
    tpu.vector_store %arg4[%swap3A_75, %swap3A_76, %swap3A_77], %swap3A_80 {strides = array<i32>} : memref<4x1x576xi32, #tpu.memory_space<vmem>>, vector<1x1x576xi32>,
    %get3A_81 = arith.constant 3 : index
    %get3A_82 = arith.constant 0 : index
    %get3A_83 = arith.constant 0 : index
    %get3A_84 = vector.load %arg1[%get3A_81, %get3A_82, %get3A_83] : memref<4x64x576xf32, #tpu.memory_space<vmem>>, vector<1x64x576xf32>
    %get3A_85 = vector.shape_cast %get3A_84 : vector<1x64x576xf32> to vector<64x576xf32>
    %convert_element_type3A_86 = arith.truncf %get3A_85 : vector<64x576xf32> to vector<64x576xbf16>
    %dot_general3A_87 = arith.constant dense<0.000000e+00> : vector<1024x576xf32>
    %dot_general3A_88 = tpu.matmul %convert_element_type3A, %convert_element_type3A_86, %dot_general3A_87 {dimension_numbers = #tpu.dot_dimension_numbers<[1], [0], [0], [1], [0, 0, 1, 1], [], []>, transpose_lhs_hint = false} : vector<1024x64xbf16>, vector<64x576xbf16>, vector<1024x576xf32> -> vector<1024x576xf32>
    %mul3A_89 = arith.mulf %get3A_85, %get3A_85 : vector<64x576xf32>
    %reduce_sum3A_90 = arith.constant dense<0.000000e+00> : vector<576xf32>
    %reduce_sum3A_91 = vector.multi_reduction <add>, %mul3A_89, %reduce_sum3A_90 [0] : vector<64x576xf32> to vector<576xf32>
    %broadcast_in_dim3A_92 = vector.shape_cast %reduce_sum3A_91 : vector<576xf32> to vector<1x576xf32>
    %get3A_93 = arith.constant 0 : index
    %get3A_94 = arith.constant 0 : index
    %get3A_95 = vector.load %arg3[%get3A_93, %get3A_94] : memref<1024x1xf32, #tpu.memory_space<vmem>>, vector<1024x1xf32>
    %add3A_96 = vector.broadcast %broadcast_in_dim3A_92 : vector<1x576xf32> to vector<1024x576xf32>
    %add3A_97 = vector.broadcast %get3A_95 : vector<1024x1xf32> to vector<1024x576xf32>
    %add3A_98 = arith.addf %add3A_96, %add3A_97 : vector<1024x576xf32>
    %mul3A_99 = arith.constant 2.000000e+00 : f32
    %mul3A_100 = vector.broadcast %mul3A_99 : f32 to vector<1024x576xf32>
    %mul3A_101 = arith.mulf %mul3A_100, %dot_general3A_88 : vector<1024x576xf32>
    %sub3A_102 = arith.subf %add3A_98, %mul3A_101 : vector<1024x576xf32>
    %argmin3A_103 = tpu.reduce_index %sub3A_102 {axis = 0 : i32, kind = #tpu.reduction_kind<arg_min>} : vector<1024x576xf32> -> vector<576xi32>
    %swap3A_104 = arith.constant 3 : index
    %swap3A_105 = arith.constant 0 : index
    %swap3A_106 = arith.constant 0 : index
    %swap3A_107 = vector.load %arg4[%swap3A_104, %swap3A_105, %swap3A_106] : memref<4x1x576xi32, #tpu.memory_space<vmem>>, vector<1x1x576xi32>
    %swap3A_108 = vector.shape_cast %swap3A_107 : vector<1x1x576xi32> to vector<576xi32>
    %swap3A_109 = vector.shape_cast %argmin3A_103 : vector<576xi32> to vector<1x1x576xi32>
    tpu.vector_store %arg4[%swap3A_104, %swap3A_105, %swap3A_106], %swap3A_109 {strides = array<i32>} : memref<4x1x576xi32, #tpu.memory_space<vmem>>, vector<1x1x576xi32>,
    return
  }
  func.func @transform_0(%arg0: i32) -> (i32, i32, i32) {
    %c0_i32 = arith.constant 0 : i32
    %c0_i32_0 = arith.constant 0 : i32
    %c0_i32_1 = arith.constant 0 : i32
    return %arg0, %c0_i32, %c0_i32_0 : i32, i32, i32
  }
  func.func @transform_1(%arg0: i32) -> (i32, i32) {
    %c0_i32 = arith.constant 0 : i32
    %c0_i32_0 = arith.constant 0 : i32
    %c0_i32_1 = arith.constant 0 : i32
    return %c0_i32, %c0_i32_0 : i32, i32
  }
  func.func @transform_2(%arg0: i32) -> (i32, i32) {
    %c0_i32 = arith.constant 0 : i32
    %c0_i32_0 = arith.constant 0 : i32
    %c0_i32_1 = arith.constant 0 : i32
    return %c0_i32, %c0_i32_0 : i32, i32
  }
  func.func @transform_3(%arg0: i32) -> (i32, i32, i32) {
    %c0_i32 = arith.constant 0 : i32
    %c0_i32_0 = arith.constant 0 : i32
    %c0_i32_1 = arith.constant 0 : i32
    return %arg0, %c0_i32, %c0_i32_0 : i32, i32, i32
  }
}

module attributes {stable_mosaic.version = 14 : i64} {
  func.func @_tc_perp_body(%arg0: memref<2x128x128xf32, #tpu.memory_space<vmem>>, %arg1: memref<1x1xf32, #tpu.memory_space<smem>>) attributes {dimension_semantics = [], scalar_prefetch = 0 : i64, scratch_operands = 0 : i64, tpu.core_type = #tpu.core_type<tc>} {
    %get3A = arith.constant 0 : index
    %get3A_0 = arith.constant 0 : index
    %get3A_1 = arith.constant 0 : index
    %get3A_2 = vector.load %arg0[%get3A, %get3A_0, %get3A_1] : memref<2x128x128xf32, #tpu.memory_space<vmem>>, vector<1x128x128xf32>
    %get3A_3 = vector.shape_cast %get3A_2 : vector<1x128x128xf32> to vector<128x128xf32>
    %get3A_4 = arith.constant 1 : index
    %get3A_5 = arith.constant 0 : index
    %get3A_6 = arith.constant 0 : index
    %get3A_7 = vector.load %arg0[%get3A_4, %get3A_5, %get3A_6] : memref<2x128x128xf32, #tpu.memory_space<vmem>>, vector<1x128x128xf32>
    %get3A_8 = vector.shape_cast %get3A_7 : vector<1x128x128xf32> to vector<128x128xf32>
    %add3A = arith.addf %get3A_3, %get3A_8 : vector<128x128xf32>
    %mul3A = arith.constant 5.42534726E-5 : f32
    %mul3A_9 = vector.broadcast %mul3A : f32 to vector<128x128xf32>
    %mul3A_10 = arith.mulf %add3A, %mul3A_9 : vector<128x128xf32>
    %add3A_11 = arith.constant 1.000000e-10 : f32
    %add3A_12 = vector.broadcast %add3A_11 : f32 to vector<128x128xf32>
    %add3A_13 = arith.addf %mul3A_10, %add3A_12 : vector<128x128xf32>
    %log3A = math.log %add3A_13 : vector<128x128xf32>
    %mul3A_14 = arith.mulf %mul3A_10, %log3A : vector<128x128xf32>
    %reduce_sum3A = vector.shape_cast %mul3A_14 : vector<128x128xf32> to vector<1x128x128xf32>
    %reduce_sum3A_15 = arith.constant dense<0.000000e+00> : vector<1xf32>
    %reduce_sum3A_16 = vector.multi_reduction <add>, %reduce_sum3A, %reduce_sum3A_15 [1, 2] : vector<1x128x128xf32> to vector<1xf32>
    %reduce_sum3A_17 = vector.shape_cast %reduce_sum3A_16 : vector<1xf32> to vector<1x1x1xf32>
    %reduce_sum3A_18 = vector.extract %reduce_sum3A_17[0, 0, 0] : f32 from vector<1x1x1xf32>
    %mul3A_19 = arith.constant 6.250000e-02 : f32
    %mul3A_20 = arith.mulf %reduce_sum3A_18, %mul3A_19 : f32
    %neg3A = arith.constant 0.000000e+00 : f32
    %neg3A_21 = arith.subf %neg3A, %mul3A_20 : f32
    %exp3A = math.exp %neg3A_21 : f32
    %swap3A = arith.constant 0 : index
    %swap3A_22 = arith.constant 0 : index
    %swap3A_23 = memref.load %arg1[%swap3A, %swap3A_22] : memref<1x1xf32, #tpu.memory_space<smem>>
    memref.store %exp3A, %arg1[%swap3A, %swap3A_22] : memref<1x1xf32, #tpu.memory_space<smem>>
    return
  }
}

</mosaic_0001>

<sc_bundles>
// kernel: kernel.5.cloned.1.call-start
scs
__scs_entry_jumppad:
0x0: {  	(pc) =	sbr.rel $0x88, $3  }
0x1: {  	(tag) =	ssettag $0x0;
	lr =	simm.s32 $0x1  }
0x2: {  	[smem:$0x3F9F] =	sst lr;
	_ =	strace $0xD0000000  }
0x3: {  	_ = 	snop  }
0x4: {  	_ = 	snop  }
0x5: {  	_ = 	snop  }
0x6: {  	_ = 	snop  }
0x7: {  	_ = 	snop  }
__scs_overlays_trampoline_lowered:
0x8: {  	[smem:$0x3FAE] =	sst s0  }
0x9: {  	[smem:$0x3FAF] =	sst s1  }
0xa: {  	[smem:$0x3FB0] =	sst s2  }
0xb: {  	[smem:$0x3FB1] =	sst s3  }
0xc: {  	[smem:$0x3FB2] =	sst s4  }
0xd: {  	[smem:$0x3FB3] =	sst s5  }
0xe: {  	[smem:$0x3FB4] =	sst s6  }
0xf: {  	[smem:$0x3FB5] =	sst s7  }
0x10: {  	[smem:$0x3FB6] =	sst s8  }
0x11: {  	[smem:$0x3FB7] =	sst s9;
	s0 =	simm.s32 @!p0 $0x0  }
0x12: {  	s1 =	sld [smem:$0x3F9D];
	s0 =	simm.s32 @p0 $0x1  }
0x13: {  	[smem:$0x3FB8] =	sst s0;
	s0 =	simm.s32 @!p1 $0x0  }
0x14: {  	s2 =	sld [smem:$0x3F9C];
	s0 =	simm.s32 @p1 $0x1  }
0x15: {  	[smem:$0x3FB9] =	sst s0;
	s0 =	simm.s32 @!p2 $0x0  }
0x16: {  	s3 =	sld [smem:$0x3FDB];
	s0 =	simm.s32 @p2 $0x1  }
0x17: {  	s4 =	simm.s32 $0x1BF5;
	[smem:$0x3FBB] =	sst s0  }
0x18: {  	s0 =	sld [smem:$0x3F9E];
	_ =	swait.ge [sflag:s4], $0x0  }
0x19: {  	s7 =	sld [smem:$0x3F9F]  }
0x1a: {  	s8 =	sadd.s32 $0xFFFFE003, lr  }
0x1b: {  	s9 =	sadd.s32 $0xFFFFFEF7, lr;
	s5 =	simm.s32 $0xFFFFFFFF;
	p2 =	slt.u32 s8, $0xFFFFF086  }
0x1c: {  	p1 =	slt.u32 s9, $0xF7A;
	s5 =	simm.s32 @!p2 $0x0  }
0x1d: {  	s5 =	simm.s32 @p1 $0x1;
	p0 =	seq.s32 s7, s2  }
0x1e: {  	s7 =	smul.u32 @!p0 $0xF7A, s2;
	p2 =	seq.s32 @!p0 s5, $0x0  }
0x1f: {  	s9 =	smul.u32 $0xF7A, s1;
	s8 =	simm.s32 @!p0 $0x1BF5;
	p2 =	por !p2, p0  }
0x20: {  	[sflag:s8] =	ssyncset.s32 @!p0 $0xFFFFF086;
	s6 =	sadd.s32 @!p0 s3, s7;
	s7 =	simm.s32 @!p0 $0x108  }
0x21: {  	s3 =	sadd.s32 s3, s9;
	s6 =	sadd.s32 @!p0 $0x88, s6;
	s7 =	simm.s32 @p2 $0x1082  }
0x22: {  	[simem:s7], [sflag:s8] =	dma.local @!p0 [hbm:s6], $0xF7A  }
0x23: {  	s9 =	sor.u32 $0xD0000000, s2;
	s6 =	simm.s32 $0x108;
	_ =	swait.ge @!p0 [sflag:s8], $0x0  }
0x24: {  	s3 =	sadd.s32 $0x88, s3;
	s6 =	simm.s32 @!p1 $0x1082;
	[sflag:s4] =	ssyncset.s32 $0xFFFFF086  }
0x25: {  	[simem:s6], [sflag:s4] =	dma.local [hbm:s3], $0xF7A  }
0x26: {  	[smem:$0x3F9F] =	sst s1;
	(tag) =	ssettag s2;
	_ =	strace s9  }
0x27: {  	s1 =	sld [smem:$0x3FAF]  }
0x28: {  	s2 =	sld [smem:$0x3FB0]  }
0x29: {  	s4 =	sld [smem:$0x3FB2]  }
0x2a: {  	p0 =	seq.s32 s5, $0x0;
	s5 =	sld [smem:$0x3FB3]  }
0x2b: {  	s6 =	sld [smem:$0x3FB4]  }
0x2c: {  	s7 =	sld [smem:$0x3FB5]  }
0x2d: {  	s3 =	simm.s32 $0x108;
	s8 =	sld [smem:$0x3FB6]  }
0x2e: {  	s3 =	simm.s32 @!p0 $0x1082;
	s9 =	sld [smem:$0x3FB7]  }
0x2f: {  	lr =	sadd.s32 s0, s3;
	s0 =	sld [smem:$0x3FAE]  }
0x30: {  	s3 =	sld [smem:$0x3FB1]  }
0x31: {  	[smem:$0x3FBA] =	sst s10  }
0x32: {  	s10 =	sld [smem:$0x3FB8];
	_ =	sdelay $0x3  }
0x33: {  	p0 =	seq.s32 s10, $0x1;
	s10 =	sld [smem:$0x3FBA];
	_ =	sdelay $0x3  }
0x34: {  	[smem:$0x3FBA] =	sst s10  }
0x35: {  	s10 =	sld [smem:$0x3FB9];
	_ =	sdelay $0x3  }
0x36: {  	p1 =	seq.s32 s10, $0x1;
	s10 =	sld [smem:$0x3FBA];
	_ =	sdelay $0x3  }
0x37: {  	[smem:$0x3FBA] =	sst s10  }
0x38: {  	s10 =	sld [smem:$0x3FBB]  }
0x39: {  	_ = 	snop;
	(pc) =	sbr.ind lr, $3  }
0x3a: {  	_ = 	snop  }
0x3b: {  	_ = 	snop  }
0x3c: {  	p2 =	seq.s32 s10, $0x1;
	s10 =	sld [smem:$0x3FBA]  }
0x3d: {  	_ =	shalt  }
0x3e: {  	_ =	shalt  }
0x3f: {  	_ =	shalt  }
0x40: {  	_ =	shalt  }
0x41: {  	_ =	shalt  }
0x42: {  	_ =	shalt  }
0x43: {  	_ =	shalt  }
0x44: {  	_ =	shalt  }
0x45: {  	_ =	shalt  }
0x46: {  	_ =	shalt  }
0x47: {  	_ =	shalt  }
0x48: {  	_ =	shalt  }
0x49: {  	_ =	shalt  }
0x4a: {  	_ =	shalt  }
0x4b: {  	_ =	shalt  }
0x4c: {  	_ =	shalt  }
0x4d: {  	_ =	shalt  }
0x4e: {  	_ =	shalt  }
0x4f: {  	_ =	shalt  }
0x50: {  	_ =	shalt  }
0x51: {  	_ =	shalt  }
0x52: {  	_ =	shalt  }
0x53: {  	_ =	shalt  }
0x54: {  	_ =	shalt  }
0x55: {  	_ =	shalt  }
0x56: {  	_ =	shalt  }
0x57: {  	_ =	shalt  }
0x58: {  	_ =	shalt  }
0x59: {  	_ =	shalt  }
0x5a: {  	_ =	shalt  }
0x5b: {  	_ =	shalt  }
0x5c: {  	_ =	shalt  }
0x5d: {  	_ =	shalt  }
0x5e: {  	_ =	shalt  }
0x5f: {  	_ =	shalt  }
0x60: {  	_ =	shalt  }
0x61: {  	_ =	shalt  }
0x62: {  	_ =	shalt  }
0x63: {  	_ =	shalt  }
0x64: {  	_ =	shalt  }
0x65: {  	_ =	shalt  }
0x66: {  	_ =	shalt  }
0x67: {  	_ =	shalt  }
0x68: {  	_ =	shalt  }
0x69: {  	_ =	shalt  }
0x6a: {  	_ =	shalt  }
0x6b: {  	_ =	shalt  }
0x6c: {  	_ =	shalt  }
0x6d: {  	_ =	shalt  }
0x6e: {  	_ =	shalt  }
0x6f: {  	_ =	shalt  }
0x70: {  	_ =	shalt  }
0x71: {  	_ =	shalt  }
0x72: {  	_ =	shalt  }
0x73: {  	_ =	shalt  }
0x74: {  	_ =	shalt  }
0x75: {  	_ =	shalt  }
0x76: {  	_ =	shalt  }
0x77: {  	_ =	shalt  }
0x78: {  	_ =	shalt  }
0x79: {  	_ =	shalt  }
0x7a: {  	_ =	shalt  }
0x7b: {  	_ =	shalt  }
0x7c: {  	_ =	shalt  }
0x7d: {  	_ =	shalt  }
0x7e: {  	_ =	shalt  }
0x7f: {  	_ =	shalt  }
0x80: {  	_ =	shalt  }
0x81: {  	_ =	shalt  }
0x82: {  	_ =	shalt  }
0x83: {  	_ =	shalt  }
0x84: {  	_ =	shalt  }
0x85: {  	_ =	shalt  }
0x86: {  	_ =	shalt  }
0x87: {  	_ =	shalt  }
.Lfunc_end0:
.L_simem_size_0:
called_computation_lowered:
.L_overlay_start_0:
0x88: {  	s2 =	sld [smem:$0x3FD9]  }
0x89: {  	s3 =	sld [smem:$0x3FFE];
	_ =	sdelay $0x1  }
0x8a: {  	s1 =	srdreg.scid  }
0x8b: {  	s0 =	sand.u32 $0x1, s1  }
0x8c: {  	s14 =	sshll.u32 s0, $0xA;
	s2 =	sadd.s32 s3, s2  }
0x8d: {  	s2 =	sadd.s32 s2, s14  }
0x8e: {  	[smem:$0x3FC6] =	sst s2  }
0x8f: {  	_ = 	snop  }
0x90: {  	s2 =	sld [smem:$0x3FD0];
	_ =	sdelay $0x2  }
0x91: {  	s15 =	simm.s32 $0xA;
	s4 =	simm.s32 $0x10  }
0x92: {  	[smem:s4], [sflag:s15] =	dma.local [hbm:s2], $0x1  }
0x93: {  	_ =	swait.eq [sflag:s15], $0x1  }
0x94: {  	[sflag:s15] =	ssyncset.done $0x0  }
0x95: {  	[sflag:s15] =	ssyncadd.s32 $0xFFFFFFFF  }
0x96: {  	s16 =	sld [smem:$0x10];
	(tm) =	ssettm $0x1  }
0x97: {  	s17 =	sld [smem:$0x3FFB];
	_ =	sdelay $0x3  }
0x98: {  	_ =	strace s17  }
0x99: {  	s3 =	sld [smem:$0x3FFC];
	_ =	sdelay $0x3  }
0x9a: {  	_ =	strace s3  }
0x9b: {  	s3 =	sld [smem:$0x3FFD];
	_ =	sdelay $0x3  }
0x9c: {  	_ =	strace s3  }
0x9d: {  	_ =	strace $0x8FFFFFFF  }
0x9e: {  	s18 =	sld [smem:$0x3FDB];
	_ =	sdelay $0x1  }
0x9f: {  	s19 =	simm.s32 $_scs_section_size  }
0xa0: {  	s5 =	simm.s32 $_size__tile_overlayer_lowered;
	s6 =	simm.s32 $_tile_overlayer_lowered  }
0xa1: {  	s22 =	simm.s32 $0x1BFF;
	s21 =	sshll.u32 s6, $0x1;
	s3 =	sadd.s32 s19, s18  }
0xa2: {  	s7 =	simm.s32 $0x0;
	s20 =	sshll.u32 s5, $0x1;
	s5 =	sadd.s32 s21, s3  }
0xa3: {  	[timem:s7], [sflag:s22] =	dma.local [hbm:s5], s20  }
0xa4: {  	_ =	swait.ge [sflag:s22], s20  }
0xa5: {  	s4 =	ssub.s32 $0x0, s20;
	[sflag:s22] =	ssyncset.done $0x0  }
0xa6: {  	[sflag:s22] =	ssyncadd.s32 s4;
	_ =	sdelay $0x1  }
0xa7: {  	s23 =	simm.s32 $0x1B8B  }
0xa8: {  	_ =	swait.ge [sflag:s23], $0x1  }
0xa9: {  	[sflag:s23] =	ssyncset.done $0x0  }
0xaa: {  	s25 =	simm.s32 $0x1B8E;
	s24 =	sld [smem:$0x3FFE];
	[sflag:s23] =	ssyncadd.s32 $0xFFFFFFFF  }
0xab: {  	s26 =	simm.s32 $execute0_lowered;
	[smem:$0x3FD2] =	sst s25  }
0xac: {  	s5 =	sshll.u32 s26, $0x1;
	_ =	strace $0x80000046;
	[dreg:$0x1] =	wrdreg $0xFFFFFFFF  }
0xad: {  	s28 =	simm.s32 $_size_execute0_lowered;
	s3 =	sadd.s32 s3, s5;
	[dreg:$0x0] =	wrdreg $0x0  }
0xae: {  	s5 =	sshll.u32 s28, $0x1;
	[dreg:$0x2] =	wrdreg s3  }
0xaf: {  	[dreg:$0x3] =	wrdreg s5  }
0xb0: {  	[dreg:$0x4] =	wrdreg $0xC0  }
0xb1: {  	_ =	task [dreg:s7], $0x5FFFF  }
0xb2: {  	[dreg:$0x1] =	wrdreg $0xFFFFFFFF  }
0xb3: {  	[dreg:$0x0] =	wrdreg $0x60  }
0xb4: {  	[dreg:$0x2] =	wrdreg s24  }
0xb5: {  	[dreg:$0x3] =	wrdreg s16  }
0xb6: {  	[dreg:$0x4] =	wrdreg $0x9C400  }
0xb7: {  	[dreg:$0x5] =	wrdreg $0x9  }
0xb8: {  	_ =	task.clear_ibuf [dreg:s7], $0x6FFFF;
	_ =	strace $0x90000046  }
0xb9: {  	s29 =	simm.s32 $0x9;
	_ =	strace $0x80000048  }
0xba: {  	_ =	swait.ge [sflag:s29], $0x1  }
0xbb: {  	[sflag:s29] =	ssyncadd.s32 $0xFFFFFFFF  }
0xbc: {  	_ =	strace $0x90000048  }
0xbd: {  	_ =	sfence  }
0xbe: {  	s30 =	sld [smem:$0x0];
	_ =	sdelay $0x2  }
0xbf: {  	s31 =	sshll.u32 s1, $0xD;
	s1 =	sshrl.u32 s1, $0x2  }
0xc0: {  	s3 =	sand.u32 $0x4000, s31;
	s1 =	sadd.s32 s1, s30  }
0xc1: {  	s0 =	sor.u32 s3, s0;
	s1 =	sshll.u32 s1, $0x11  }
0xc2: {  	s0 =	sor.u32 s1, s0  }
0xc3: {  	s0 =	sadd.s32 $0x8F2B, s0  }
0xc4: {  	[sflag:s0] =	ssyncadd.remote.s32 $0x1  }
0xc5: {  	_ =	sfence.sel $0xFFFF  }
0xc6: {  	[dreg:$0x0] =	wrdreg $0xFFFFFFFF;
	(pc) =	sbr.abs _section_cstart, $3  }
0xc7: {  	[dreg:$0x1] =	wrdreg $0xFFFFFFFF  }
0xc8: {  	_ =	task.clear_ibuf [dreg:s7], $0x2FFFF;
	_ =	strace $0x9FFFFFFF  }
0xc9: {  	(tm) =	ssettm $0x7FFFFFFF  }
tec
execute0_lowered:
.L_overlay_start_1:
0x0: {  	(tag) =	ssettag $0x1  }
0x1: {  	s4 =	rddreg [dreg:$0x0]  }
0x2: {  	s6 =	rddreg [dreg:$0x1]  }
0x3: {  	s0 =	srdreg.scid;
	s21 =	stileid.u32  }
0x4: {  	s1 =	rddreg [dreg:$0x2];
	s2 =	simm.s32 $0x0;
	s12 =	simm.s32 $0x1A40  }
0x5: {  	s13 =	simm.s32 $0xC0;
	s14 =	simm.s32 $0x3240;
	s15 =	simm.s32 $0x120  }
0x6: {  	s16 =	simm.s32 $0x4A40;
	s17 =	simm.s32 $0x180;
	s18 =	simm.s32 $0x6240  }
0x7: {  	s19 =	simm.s32 $0x1E0;
	s20 =	simm.s32 $0x7A40;
	s22 =	simm.s32 $0x9640  }
0x8: {  	s23 =	simm.s32 $0x1;
	s25 =	simm.s32 $0x2;
	s26 =	simm.s32 $0x0  }
0x9: {  	s5 =	sand.u32 $0x1, s0;
	s3 =	sshll.u32 s21, $0x1;
	s0 =	rddreg [dreg:$0x3]  }
0xa: {  	[smem:$0x7FF] =	sst s2;
	s31 =	sshll.u32 s21, $0xA;
	p0 =	sne.s32 s21, $0x0  }
0xb: {  	s21 =	simm.s32 $0x9240;
	s7 =	sor.u32 s5, s3;
	_ =	strace $0x80000047  }
0xc: {  	s3 =	sadd.s32 $0x200, s4;
	s9 =	ssub.s32 $0x2, s5;
	s5 =	sshll.u32 s5, $0xB  }
0xd: {  	s24 =	sshrl.u32 @!p0 s1, $0x3;
	s8 =	smul.u32 $0x48, s7;
	s10 =	sshrl.u32 s9, $0x1  }
0xe: {  	s7 =	smul.u32 $0x1200, s7;
	s11 =	sadd.s32 s5, s4;
	s5 =	sadd.s32 s31, s1  }
0xf: {  	s9 =	ssub.s32 s9, s10;
	s10 =	simm.s32 $0x60;
	s8 =	sadd.s32 s8, s4  }
0x10: {  	s6 =	sadd.s32 s6, s7;
	s7 =	sadd.s32 $0x2C00, s11;
	s11 =	simm.s32 $0x240  }
0x11: {  	v0 =	vimm.f32 $0.0e+00;
	v1 =	vimm.f32 $1.000000000e+00;
	s4 =	sadd.s32 $0x2200, s8;
	s8 =	smax.u32 s9, $0x1;
	s9 =	simm.s32 $0x3  }
.LBB2_1:
0x12: {  	[tilespmem:s2], [sflag:$0x3] =	stream.linear.gather [hbm4b:s4+s2], $0x240, $0x38;
	[tilespmem:$0xA040] =	vst v63  }
0x13: {  	_ =	swait.ge [sflag:s9], $0x240  }
0x14: {  	[sflag:s9] =	ssyncset.done $0x0  }
0x15: {  	[sflag:s9] =	ssyncadd.s32 $0xFFFFFDC0  }
0x16: {  	[tilespmem:s11], [sflag:$0x1] =	stream.indirect.gather [hbm4b:s3+s10], $0x40, s2, s10, $0xb8;
	[tilespmem:$0xA040] =	vst v63  }
0x17: {  	_ = 	snop  }
0x18: {  	[tilespmem:s12], [sflag:$0x1] =	stream.indirect.gather [hbm4b:s3+s10], $0x40, s10, s10, $0xb8;
	[tilespmem:$0xA040] =	vst v63  }
0x19: {  	_ = 	snop  }
0x1a: {  	[tilespmem:s14], [sflag:$0x1] =	stream.indirect.gather [hbm4b:s3+s10], $0x40, s13, s10, $0xb8;
	[tilespmem:$0xA040] =	vst v63  }
0x1b: {  	_ = 	snop  }
0x1c: {  	[tilespmem:s16], [sflag:$0x1] =	stream.indirect.gather [hbm4b:s3+s10], $0x40, s15, s10, $0xb8;
	[tilespmem:$0xA040] =	vst v63  }
0x1d: {  	_ = 	snop  }
0x1e: {  	[tilespmem:s18], [sflag:$0x1] =	stream.indirect.gather [hbm4b:s3+s10], $0x40, s17, s10, $0xb8;
	[tilespmem:$0xA040] =	vst v63  }
0x1f: {  	s28 =	simm.s32 $0x0  }
0x20: {  	[tilespmem:s20], [sflag:$0x1] =	stream.indirect.gather [hbm4b:s3+s10], $0x40, s19, s10, $0xb8;
	[tilespmem:$0xA040] =	vst v63  }
.LBB2_2:
0x21: {  	p1 =	sne.s32 s28, $0xFC0  }
.Ltmp0:
0x22: {  	_ = 	snop;
	(pc) =	sbr.rel @p1 .LBB2_2-.Ltmp0, $3  }
0x23: {  	_ =	sdelay $0x1  }
0x24: {  	s29 =	sshra.s32 s28, $0x2  }
0x25: {  	s28 =	sadd.s32 $0x40, s28;
	[tilespmem:s29+$0x9240] =	vst v0  }
0x26: {  	s28 =	simm.s32 $0x40;
	s29 =	simm.s32 $0x0  }
.LBB2_4:
0x27: {  	p1 =	sne.s32 s28, $0x17C0;
	[tilespmem:s29+$0x9640] =	vst v1;
	s29 =	smov.u32 s28;
	s28 =	sadd.s32 $0x40, s28  }
.Ltmp1:
0x28: {  	(pc) =	sbr.rel @p1 .LBB2_4-.Ltmp1, $2  }
0x29: {  	_ =	sdelay $0x2  }
0x2a: {  	s29 =	sshra.s32 s29, $0x2  }
0x2b: {  	[tilespmem:s29+$0x9640] =	vst v1  }
0x2c: {  	[spmem:s5] =	stream.linear.scatter [tilespmem:s21], [sflag:$0x3], $0x400, $0x38;
	[tilespmem:$0xA040] =	vst v63  }
0x2d: {  	_ =	swait.ge [sflag:s9], $0x400  }
0x2e: {  	[sflag:s9] =	ssyncset.done $0x0  }
0x2f: {  	[sflag:s9] =	ssyncadd.s32 $0xFFFFFC00  }
0x30: {  	[bflag:$0x0] =	sbarrier.arrive $0xFFFF  }
0x31: {  	[spmem:s1] =	stream.indirect.scatter.add.f32 [tilespmem:s22], [sflag:$0x3], $0x10, s2, s10, $0xb8;
	[tilespmem:$0xA040] =	vst v63  }
0x32: {  	_ =	swait.ge [sflag:s9], $0x600  }
0x33: {  	[sflag:s9] =	ssyncset.done $0x0  }
0x34: {  	[sflag:s9] =	ssyncadd.s32 $0xFFFFFA00  }
0x35: {  	[spmem:s1] =	stream.indirect.scatter.add.f32 [tilespmem:s22], [sflag:$0x3], $0x10, s10, s10, $0xb8;
	[tilespmem:$0xA040] =	vst v63  }
0x36: {  	_ =	swait.ge [sflag:s9], $0x600  }
0x37: {  	[sflag:s9] =	ssyncset.done $0x0  }
0x38: {  	[sflag:s9] =	ssyncadd.s32 $0xFFFFFA00  }
0x39: {  	[spmem:s1] =	stream.indirect.scatter.add.f32 [tilespmem:s22], [sflag:$0x3], $0x10, s13, s10, $0xb8;
	[tilespmem:$0xA040] =	vst v63  }
0x3a: {  	_ =	swait.ge [sflag:s9], $0x600  }
0x3b: {  	[sflag:s9] =	ssyncset.done $0x0  }
0x3c: {  	[sflag:s9] =	ssyncadd.s32 $0xFFFFFA00  }
0x3d: {  	[spmem:s1] =	stream.indirect.scatter.add.f32 [tilespmem:s22], [sflag:$0x3], $0x10, s15, s10, $0xb8;
	[tilespmem:$0xA040] =	vst v63  }
0x3e: {  	_ =	swait.ge [sflag:s9], $0x600  }
0x3f: {  	[sflag:s9] =	ssyncset.done $0x0  }
0x40: {  	[sflag:s9] =	ssyncadd.s32 $0xFFFFFA00  }
0x41: {  	[spmem:s1] =	stream.indirect.scatter.add.f32 [tilespmem:s22], [sflag:$0x3], $0x10, s17, s10, $0xb8;
	[tilespmem:$0xA040] =	vst v63  }
0x42: {  	_ =	swait.ge [sflag:s9], $0x600  }
0x43: {  	[sflag:s9] =	ssyncset.done $0x0  }
0x44: {  	[sflag:s9] =	ssyncadd.s32 $0xFFFFFA00  }
0x45: {  	[spmem:s1] =	stream.indirect.scatter.add.f32 [tilespmem:s22], [sflag:$0x3], $0x10, s19, s10, $0xb8;
	[tilespmem:$0xA040] =	vst v63  }
0x46: {  	_ =	swait.ge [sflag:s9], $0x600  }
0x47: {  	[sflag:s9] =	ssyncset.done $0x0  }
0x48: {  	[sflag:s9] =	ssyncadd.s32 $0xFFFFFA00  }
0x49: {  	_ =	swait.ge [sflag:s23], $0x1800  }
0x4a: {  	[sflag:s23] =	ssyncset.done $0x0  }
0x4b: {  	[sflag:s23] =	ssyncadd.s32 $0xFFFFE800  }
0x4c: {  	_ =	swait.ge [sflag:s23], $0x1800  }
0x4d: {  	[sflag:s23] =	ssyncset.done $0x0  }
0x4e: {  	[sflag:s23] =	ssyncadd.s32 $0xFFFFE800  }
0x4f: {  	_ =	swait.ge [sflag:s23], $0x1800  }
0x50: {  	[sflag:s23] =	ssyncset.done $0x0  }
0x51: {  	[sflag:s23] =	ssyncadd.s32 $0xFFFFE800  }
0x52: {  	_ =	swait.ge [sflag:s23], $0x1800  }
0x53: {  	[sflag:s23] =	ssyncset.done $0x0  }
0x54: {  	[sflag:s23] =	ssyncadd.s32 $0xFFFFE800  }
0x55: {  	_ =	swait.ge [sflag:s23], $0x1800  }
0x56: {  	[sflag:s23] =	ssyncset.done $0x0  }
0x57: {  	[sflag:s23] =	ssyncadd.s32 $0xFFFFE800  }
0x58: {  	_ =	swait.ge [sflag:s23], $0x1800  }
0x59: {  	[sflag:s23] =	ssyncset.done $0x0  }
0x5a: {  	[sflag:s23] =	ssyncadd.s32 $0xFFFFE800  }
0x5b: {  	[hbm4b:s6+s2] =	stream.linear.scatter [tilespmem:s11], [sflag:$0x2], $0x9000, $0x38;
	[tilespmem:$0xA040] =	vst v63  }
0x5c: {  	s28 =	simm.s32 @!p0 $0x1C03;
	[bflag:$0x0] =	sbarrier.arrive $0xFFFF  }
0x5d: {  	[hbm:s7], [sflag:s28] =	dma.local @!p0 [spmem:s24], $0x800  }
0x5e: {  	s26 =	sadd.s32 $0x1, s26;
	s28 =	simm.s32 @!p0 $0x3  }
0x5f: {  	p1 =	sne.s32 s26, s8;
	_ =	swait.ge @!p0 [sflag:s28], $0x800  }
.Ltmp2:
0x60: {  	[sflag:s28] =	ssyncset.done @!p0 $0x0;
	(pc) =	sbr.rel @p1 .LBB2_1-.Ltmp2, $4  }
0x61: {  	[sflag:s28] =	ssyncadd.s32 @!p0 $0xFFFFF800  }
0x62: {  	_ =	swait.ge [sflag:s25], $0x9000  }
0x63: {  	[sflag:s25] =	ssyncset.done $0x0  }
0x64: {  	[sflag:s25] =	ssyncadd.s32 $0xFFFF7000  }
0x65: {  	_ =	sfence.sel $0x180000  }
0x66: {  	[bflag:$0x0] =	sbarrier.arrive $0xFFFF  }
0x67: {  	_ =	strace $0x90000047  }
0x68: {  	s0 =	sadd.s32 @!p0 $0x100000, s0;
	[bflag:$0x2] =	sbarrier.arrive $0xFFFF  }
0x69: {  	[sflag:s0] =	ssyncadd.tile.s32 @!p0 $0x1;
	_ =	shalt  }
.Lfunc_end2:
_tile_overlayer_lowered:
.L_overlay_start_2:
0x6a: {  	(tag) =	ssettag $0x2  }
0x6b: {  	s0 =	rddreg [dreg:$0x0];
	s2 =	stileid.u32  }
0x6c: {  	s1 =	rddreg [dreg:$0x1];
	p0 =	sne.s32 s2, $0x0  }
0x6d: {  	s3 =	rddreg [dreg:$0x2];
	[bflag:$0x3] =	sbarrier.arrive $0xFFFF;
	s2 =	simm.s32 @!p0 $0x1C03  }
0x6e: {  	[timem:s3], [sflag:s2] =	dma.local @!p0 [hbm:s0], s1  }
0x6f: {  	s0 =	simm.s32 @!p0 $0x3  }
0x70: {  	_ =	swait.ge @!p0 [sflag:s0], s1  }
0x71: {  	s1 =	ssub.s32 @!p0 $0x0, s1;
	[sflag:s0] =	ssyncset.done @!p0 $0x0  }
0x72: {  	[sflag:s0] =	ssyncadd.s32 @!p0 s1  }
0x73: {  	[bflag:$0x3] =	sbarrier.arrive $0xFFFF  }
0x74: {  	_ =	shalt  }

</sc_bundles>
